<compile_context>
chip_gen: v7x
topology: tpu7x:2x2x1
jax: 0.10.2.dev20260603
libtpu: 0.0.44.dev20260713+nightly
codegen_flags: <defaults>
</compile_context>

<pallas_src>
import functools

import jax
import jax.numpy as jnp
from jax import lax
from jax.experimental import pallas as pl
from jax.experimental.pallas import tpu as pltpu
from jax.experimental.pallas import tpu_sc as plsc

NC = 2
NS = 16
NW = NC * NS

B = 8
T = 4
BT = B * T
N = 1601
D = 1280
S = 1216
TB = 64
CK = 16
NCH = (1600 - S) // CK
NPW = NCH * BT // NW
VPT = D // 16
UNR = 8


def _tc_fused(x, lp, g3, plane, m_arr, c_arr):
  def body(plane_ref, c_ref, m_ref, x_ref, l_ref, g_ref, o_ref):
    b = pl.program_id(1)
    t = pl.program_id(2)
    m = m_ref[b * T + t]
    add = c_ref[0] * l_ref[...] + m * g_ref[0]
    o_ref[...] = x_ref[...] + add[None, None]

  grid_spec = pltpu.PrefetchScalarGridSpec(
      num_scalar_prefetch=1,
      grid=(S // TB, B, T),
      in_specs=[
          pl.BlockSpec(memory_space=pltpu.SMEM),
          pl.BlockSpec(memory_space=pltpu.SMEM),
          pl.BlockSpec((1, 1, TB, D), lambda i, j, k, pref: (j, k, i, 0)),
          pl.BlockSpec((TB, D), lambda i, j, k, pref: (i, 0)),
          pl.BlockSpec((1, TB, D),
                       lambda i, j, k, pref: (pref[j * T + k], i, 0)),
      ],
      out_specs=pl.BlockSpec((1, 1, TB, D), lambda i, j, k, pref: (j, k, i, 0)),
  )
  return pl.pallas_call(
      body,
      grid_spec=grid_spec,
      out_shape=jax.ShapeDtypeStruct((B, T, S, D), jnp.float32),
  )(plane, c_arr, m_arr, x, lp, g3)


def _tc_assemble(tc_out, sc_out):
  NB = S // TB

  def body(a_ref, b_ref, o_ref):
    i = pl.program_id(0)

    @pl.when(i < NB)
    def _():
      o_ref[...] = a_ref[...]

    @pl.when(i >= NB)
    def _():
      o_ref[...] = b_ref[...]

  grid = (pl.cdiv(N, TB), B, T)
  return pl.pallas_call(
      body,
      grid=grid,
      in_specs=[
          pl.BlockSpec((1, 1, TB, D),
                       lambda i, j, k: (j, k, jnp.minimum(i, NB - 1), 0)),
          pl.BlockSpec((1, 1, TB, D),
                       lambda i, j, k: (j, k, jnp.maximum(i - NB, 0), 0)),
      ],
      out_specs=pl.BlockSpec((1, 1, TB, D), lambda i, j, k: (j, k, i, 0)),
      out_shape=jax.ShapeDtypeStruct((B, T, N, D), jnp.float32),
  )(tc_out, sc_out)


def _sc_fused(x3, g3, lp, p_arr, m_arr, c_arr):
  mesh = plsc.VectorSubcoreMesh(core_axis_name="c", subcore_axis_name="s")

  @functools.partial(
      pl.kernel,
      mesh=mesh,
      out_type=jax.ShapeDtypeStruct((BT, N - S, D), jnp.float32),
      scratch_types=[
          pltpu.VMEM((CK, D), jnp.float32),
          pltpu.VMEM((CK, D), jnp.float32),
          pltpu.VMEM((CK, D), jnp.float32),
          pltpu.VMEM((CK, D), jnp.float32),
          pltpu.VMEM((CK, D), jnp.float32),
          pltpu.VMEM((BT, 128), jnp.int32),
          pltpu.VMEM((BT, 128), jnp.float32),
          pltpu.VMEM((1, 128), jnp.float32),
          pltpu.SemaphoreType.DMA,
          pltpu.SemaphoreType.DMA,
          pltpu.SemaphoreType.DMA,
          pltpu.SemaphoreType.DMA,
          pltpu.SemaphoreType.DMA,
          pltpu.SemaphoreType.DMA,
      ],
  )
  def k(x_hbm, g_hbm, l_hbm, p_hbm, m_hbm, c_hbm, out_hbm,
        xb0, xb1, gb0, gb1, lb, pb, mb, cb,
        sx0, sx1, sg0, sg1, so0, so1):
    wid = lax.axis_index("s") * NC + lax.axis_index("c")
    pltpu.sync_copy(p_hbm, pb)
    pltpu.sync_copy(m_hbm, mb)
    pltpu.sync_copy(c_hbm, cb)
    cvec = cb[0, pl.ds(0, 16)]
    q0 = wid * NPW

    def drain(buf, sem):
      pltpu.make_async_copy(x_hbm.at[0, pl.ds(0, CK), :], buf, sem).wait()

    def drain_out(buf, sem):
      pltpu.make_async_copy(buf, out_hbm.at[0, pl.ds(0, CK), :], sem).wait()

    def issue(q, xbuf, gbuf, sx, sg):
      bt = lax.rem(q, BT)
      ns = (q // BT) * CK
      p = pb[bt, pl.ds(0, 16)][0]
      pltpu.async_copy(g_hbm.at[p, pl.ds(S + ns, CK), :], gbuf, sg)
      pltpu.async_copy(x_hbm.at[bt, pl.ds(S + ns, CK), :], xbuf, sx)

    def store(q, xbuf, so):
      bt = lax.rem(q, BT)
      ns = (q // BT) * CK
      pltpu.async_copy(xbuf, out_hbm.at[bt, pl.ds(ns, CK), :], so)

    def load_local(lc):
      pltpu.sync_copy(l_hbm.at[pl.ds(S + lc * CK, CK), :], lb)

      def i_body(i, cc):
        def j_body(j, cc2):
          s = pl.ds(j * 16, 16)
          lb[i, s] = cvec * lb[i, s]
          return cc2
        return lax.fori_loop(0, VPT, j_body, cc)
      lax.fori_loop(0, CK, i_body, 0)

    def fused_rows(xbuf, gbuf, mv):
      def i_body(i, cc):
        def jj_body(jj, cc2):
          for u in range(UNR):
            s = pl.ds(jj * (16 * UNR) + u * 16, 16)
            xbuf[i, s] = xbuf[i, s] + lb[i, s] + mv * gbuf[i, s]
          return cc2
        return lax.fori_loop(0, VPT // UNR, jj_body, cc)
      lax.fori_loop(0, CK, i_body, 0)

    issue(q0, xb0, gb0, sx0, sg0)

    def pair_body(it2, carry2):
      qa = q0 + 2 * it2
      qb = qa + 1

      @pl.when(jnp.logical_or(it2 == 0, lax.rem(qa, BT) == 0))
      def _():
        load_local(qa // BT)

      @pl.when(it2 >= 1)
      def _():
        drain_out(xb1, so1)
      issue(qb, xb1, gb1, sx1, sg1)

      drain(xb0, sx0)
      drain(gb0, sg0)
      fused_rows(xb0, gb0, mb[lax.rem(qa, BT), pl.ds(0, 16)])
      store(qa, xb0, so0)

      @pl.when(it2 <= (NPW // 2 - 2))
      def _():
        drain_out(xb0, so0)
        issue(qa + 2, xb0, gb0, sx0, sg0)

      drain(xb1, sx1)
      drain(gb1, sg1)
      fused_rows(xb1, gb1, mb[lax.rem(qb, BT), pl.ds(0, 16)])
      store(qb, xb1, so1)
      return carry2

    lax.fori_loop(0, NPW // 2, pair_body, 0)
    drain_out(xb0, so0)
    drain_out(xb1, so1)

    @pl.when(wid == 0)
    def _():
      n0 = 1600
      pltpu.sync_copy(l_hbm.at[pl.ds(n0, 1), :], lb.at[pl.ds(0, 1), :])

      def bt_tail(bt, carry2):
        p = pb[bt, pl.ds(0, 16)][0]
        cp = pltpu.async_copy(g_hbm.at[p, pl.ds(n0, 1), :],
                              gb0.at[pl.ds(0, 1), :], sg0)
        pltpu.sync_copy(x_hbm.at[bt, pl.ds(n0, 1), :], xb0.at[pl.ds(0, 1), :])
        cp.wait()
        mv = mb[bt, pl.ds(0, 16)]

        def j_body(j, c4):
          s = pl.ds(j * 16, 16)
          xb0[0, s] = xb0[0, s] + cvec * lb[0, s] + mv * gb0[0, s]
          return c4

        lax.fori_loop(0, VPT, j_body, 0)
        pltpu.sync_copy(xb0.at[pl.ds(0, 1), :],
                        out_hbm.at[bt, pl.ds(n0 - S, 1), :])
        return carry2

      lax.fori_loop(0, BT, bt_tail, 0)

  return k(x3, g3, lp, p_arr, m_arr, c_arr)


def kernel(x, aspect_ratio, local_pe, global_pe, gate):
  b, t, n, d = x.shape
  g2 = jnp.tanh(gate[0].astype(jnp.float32))
  ar = aspect_ratio.astype(jnp.int32)
  h = ar[:, 0]
  w = ar[:, 1]
  wsafe = jnp.maximum(w, 1)
  tt = jnp.arange(T, dtype=jnp.int32)
  rows = tt[None, :] // wsafe[:, None]
  cols = tt[None, :] % wsafe[:, None]
  plane = (rows * T + cols).reshape(BT)
  valid = (tt[None, :] < (h * w)[:, None]).reshape(BT)
  mflat = g2 * valid.astype(jnp.float32)
  p_arr = jnp.tile(plane.reshape(BT, 1), (1, 128))
  m_arr = jnp.tile(mflat.reshape(BT, 1), (1, 128))
  c_arr = jnp.tile((1.0 - g2).reshape(1, 1), (1, 128))
  x3 = x.reshape(BT, N, D)
  g3 = global_pe.reshape(T * T, N, D)
  out_tc = _tc_fused(x, local_pe, g3, plane, m_arr[:, 0],
                     c_arr[0, :1])
  out_sc = _sc_fused(x3, g3, local_pe, p_arr, m_arr, c_arr)
  return _tc_assemble(out_tc, out_sc.reshape(b, t, N - S, d))

# --- scband reference (transcript-rebuilt; emitter-appended) ---
"""Pipeline reference for scband-tiled-token-positional-embedding-20873541058892 (READ-ONLY COPY).

The authoritative reference and input builder live on the scoring server;
editing this copy changes nothing except your own understanding.
"""

import jax, jax.numpy as jnp
import numpy as np

MAX_NUM_TILES = 4
EMBED_DIM = 1280
PATCH_GRID = 40
N_TOKENS = PATCH_GRID ** 2 + 1  # 1601
BSZ = 8


def setup_inputs(seed: int = 0) -> dict:
    key = jax.random.key(seed)
    k1, k2, k3, k4 = jax.random.split(key, 4)
    scale = EMBED_DIM ** (-0.5)
    x = jax.random.normal(k1, (BSZ, MAX_NUM_TILES, N_TOKENS, EMBED_DIM), dtype=jnp.float32)
    aspect_ratio = jax.random.randint(k2, (BSZ, 2), 0, 3).astype(jnp.int64)
    local_pe = scale * jax.random.normal(k3, (N_TOKENS, EMBED_DIM), dtype=jnp.float32)
    global_pe = scale * jax.random.normal(
        k4, (MAX_NUM_TILES, MAX_NUM_TILES, N_TOKENS, EMBED_DIM), dtype=jnp.float32
    )
    gate = jnp.full((1,), 0.5, dtype=jnp.float32)
    return {
        "x": x,
        "aspect_ratio": aspect_ratio,
        "local_pe": local_pe,
        "global_pe": global_pe,
        "gate": gate,
    }


def reference(x, aspect_ratio, local_pe, global_pe, gate):
    bsz, n_tiles, n_tokens, embed_dim = x.shape
    # local (tile-invariant) positional embedding, gated
    x = x + local_pe * (1.0 - jnp.tanh(gate))
    t = jnp.arange(n_tiles)
    outs = []
    for b in range(bsz):
        n_tiles_h = aspect_ratio[b, 0]
        n_tiles_w = aspect_ratio[b, 1]
        n_non_padded = n_tiles_h * n_tiles_w
        w_safe = jnp.maximum(n_tiles_w, 1)
        rows = t // w_safe
        cols = t % w_safe
        pe = global_pe[rows, cols, :, :]
        pe = pe * jnp.tanh(gate)
        valid = (t < n_non_padded)[:, None, None]
        padded = jnp.where(valid, pe, jnp.zeros((), dtype=x.dtype))
        outs.append(x[b] + padded)
    return jnp.stack(outs, axis=0)

if __name__ == "__main__":
    import jax
    _d = setup_inputs()
    print(jax.jit(kernel)(*tuple(_d.values())))

</pallas_src>

<mosaic_0001>
#map = affine_map<(d0, d1) -> (0, 0, 0)>
#map1 = affine_map<(d0, d1) -> (0, 0)>
module attributes {stable_mosaic.version = 14 : i64} {
  func.func @k(%arg0: i32, %arg1: i32, %arg2: memref<32x1601x1280xf32, #tpu.memory_space<hbm>>, %arg3: memref<16x1601x1280xf32, #tpu.memory_space<hbm>>, %arg4: memref<1601x1280xf32, #tpu.memory_space<hbm>>, %arg5: memref<32x128xi32, #tpu.memory_space<hbm>>, %arg6: memref<32x128xf32, #tpu.memory_space<hbm>>, %arg7: memref<1x128xf32, #tpu.memory_space<hbm>>, %arg8: memref<32x385x1280xf32, #tpu.memory_space<hbm>>, %arg9: memref<16x1280xf32, #tpu.memory_space<vmem>>, %arg10: memref<16x1280xf32, #tpu.memory_space<vmem>>, %arg11: memref<16x1280xf32, #tpu.memory_space<vmem>>, %arg12: memref<16x1280xf32, #tpu.memory_space<vmem>>, %arg13: memref<16x1280xf32, #tpu.memory_space<vmem>>, %arg14: memref<32x128xi32, #tpu.memory_space<vmem>>, %arg15: memref<32x128xf32, #tpu.memory_space<vmem>>, %arg16: memref<1x128xf32, #tpu.memory_space<vmem>>, %arg17: memref<!tpu.dma_semaphore, #tpu.memory_space<semaphore_mem>>, %arg18: memref<!tpu.dma_semaphore, #tpu.memory_space<semaphore_mem>>, %arg19: memref<!tpu.dma_semaphore, #tpu.memory_space<semaphore_mem>>, %arg20: memref<!tpu.dma_semaphore, #tpu.memory_space<semaphore_mem>>, %arg21: memref<!tpu.dma_semaphore, #tpu.memory_space<semaphore_mem>>, %arg22: memref<!tpu.dma_semaphore, #tpu.memory_space<semaphore_mem>>) attributes {dimension_semantics = [#tpu.dimension_semantics<core_parallel>, #tpu.dimension_semantics<subcore_parallel>], iteration_bounds = array<i64: 2, 16>, scalar_prefetch = 0 : i64, scratch_operands = 14 : i64, tpu.core_type = #tpu.core_type<sc_vector_subcore>, window_params = [{transform_indices = #map}, {transform_indices = #map}, {transform_indices = #map1}, {transform_indices = #map1}, {transform_indices = #map1}, {transform_indices = #map1}, {transform_indices = #map}]} {
    %mul3A = arith.constant 2 : i32
    %mul3A_0 = arith.muli %arg1, %mul3A : i32
    %add3A = arith.addi %mul3A_0, %arg0 : i32
    "tpu.region"() ({
      %run_scoped3A = tpu.sem_alloc : memref<!tpu.dma_semaphore, #tpu.memory_space<semaphore_mem>>
      tpu.enqueue_dma source(%arg5 : memref<32x128xi32, #tpu.memory_space<hbm>>) target(%arg14 : memref<32x128xi32, #tpu.memory_space<vmem>>) target_semaphore(%run_scoped3A : memref<!tpu.dma_semaphore, #tpu.memory_space<semaphore_mem>>)
      tpu.wait_dma2 semaphore(%run_scoped3A : memref<!tpu.dma_semaphore, #tpu.memory_space<semaphore_mem>>) src(%arg5 : memref<32x128xi32, #tpu.memory_space<hbm>>) dst(%arg14 : memref<32x128xi32, #tpu.memory_space<vmem>>)
      tpu.yield
    }) : () -> ()
    "tpu.region"() ({
      %run_scoped3A = tpu.sem_alloc : memref<!tpu.dma_semaphore, #tpu.memory_space<semaphore_mem>>
      tpu.enqueue_dma source(%arg6 : memref<32x128xf32, #tpu.memory_space<hbm>>) target(%arg15 : memref<32x128xf32, #tpu.memory_space<vmem>>) target_semaphore(%run_scoped3A : memref<!tpu.dma_semaphore, #tpu.memory_space<semaphore_mem>>)
      tpu.wait_dma2 semaphore(%run_scoped3A : memref<!tpu.dma_semaphore, #tpu.memory_space<semaphore_mem>>) src(%arg6 : memref<32x128xf32, #tpu.memory_space<hbm>>) dst(%arg15 : memref<32x128xf32, #tpu.memory_space<vmem>>)
      tpu.yield
    }) : () -> ()
    "tpu.region"() ({
      %run_scoped3A = tpu.sem_alloc : memref<!tpu.dma_semaphore, #tpu.memory_space<semaphore_mem>>
      tpu.enqueue_dma source(%arg7 : memref<1x128xf32, #tpu.memory_space<hbm>>) target(%arg16 : memref<1x128xf32, #tpu.memory_space<vmem>>) target_semaphore(%run_scoped3A : memref<!tpu.dma_semaphore, #tpu.memory_space<semaphore_mem>>)
      tpu.wait_dma2 semaphore(%run_scoped3A : memref<!tpu.dma_semaphore, #tpu.memory_space<semaphore_mem>>) src(%arg7 : memref<1x128xf32, #tpu.memory_space<hbm>>) dst(%arg16 : memref<1x128xf32, #tpu.memory_space<vmem>>)
      tpu.yield
    }) : () -> ()
    %get3A = arith.constant 0 : i32
    %get3A_1 = arith.index_cast %get3A : i32 to index
    %get3A_2 = arith.constant 0 : index
    %get3A_3 = tpu.vector_load %arg16[%get3A_1, %get3A_2] {strides = array<i32>} : memref<1x128xf32, #tpu.memory_space<vmem>>, vector<1x16xf32>,
    %get3A_4 = vector.shape_cast %get3A_3 : vector<1x16xf32> to vector<16xf32>
    %mul3A_5 = arith.constant 24 : i32
    %mul3A_6 = arith.muli %add3A, %mul3A_5 : i32
    %rem3A = arith.constant 32 : i32
    %rem3A_7 = arith.remsi %mul3A_6, %rem3A : i32
    %jit3A = arith.constant 32 : i32
    %div3A = arith.divsi %mul3A_6, %jit3A : i32
    %sign3A = arith.constant 0 : i32
    %sign3A_8 = arith.cmpi sgt, %mul3A_6, %sign3A : i32
    %sign3A_9 = arith.extui %sign3A_8 : i1 to i32
    %sign3A_10 = arith.constant 0 : i32
    %sign3A_11 = arith.cmpi slt, %mul3A_6, %sign3A_10 : i32
    %sign3A_12 = arith.extui %sign3A_11 : i1 to i32
    %sign3A_13 = arith.subi %sign3A_9, %sign3A_12 : i32
    %sign3A_14 = arith.constant 0 : i32
    %sign3A_15 = arith.cmpi sgt, %jit3A, %sign3A_14 : i32
    %sign3A_16 = arith.extui %sign3A_15 : i1 to i32
    %sign3A_17 = arith.constant 0 : i32
    %sign3A_18 = arith.cmpi slt, %jit3A, %sign3A_17 : i32
    %sign3A_19 = arith.extui %sign3A_18 : i1 to i32
    %sign3A_20 = arith.subi %sign3A_16, %sign3A_19 : i32
    %ne3A = arith.cmpi ne, %sign3A_13, %sign3A_20 : i32
    %rem3A_21 = arith.remsi %mul3A_6, %jit3A : i32
    %ne3A_22 = arith.constant 0 : i32
    %ne3A_23 = arith.cmpi ne, %rem3A_21, %ne3A_22 : i32
    %and3A = arith.andi %ne3A, %ne3A_23 : i1
    %sub3A = arith.constant 1 : i32
    %sub3A_24 = arith.subi %div3A, %sub3A : i32
    %select_n3A = arith.select %and3A, %sub3A_24, %div3A : i32
    %mul3A_25 = arith.constant 16 : i32
    %mul3A_26 = arith.muli %select_n3A, %mul3A_25 : i32
    %get3A_27 = arith.index_cast %rem3A_7 : i32 to index
    %get3A_28 = arith.constant 0 : index
    %get3A_29 = tpu.vector_load %arg14[%get3A_27, %get3A_28] {strides = array<i32>} : memref<32x128xi32, #tpu.memory_space<vmem>>, vector<1x16xi32>,
    %get3A_30 = vector.shape_cast %get3A_29 : vector<1x16xi32> to vector<16xi32>
    %slice3A = vector.extract_strided_slice %get3A_30 {offsets = [0], sizes = [1], strides = [1]} : vector<16xi32> to vector<1xi32>
    %squeeze3A = vector.extract %slice3A[0] : i32 from vector<1xi32>
    %add3A_31 = arith.constant 1216 : i32
    %add3A_32 = arith.addi %add3A_31, %mul3A_26 : i32
    %dma_start3A = arith.constant 0 : i32
    %dma_start3A_33 = tpu.memref_slice %arg3[%squeeze3A, %add3A_32, %dma_start3A] : memref<16x1601x1280xf32, #tpu.memory_space<hbm>> -> memref<1x16x1280xf32, #tpu.memory_space<hbm>>
    %dma_start3A_34 = tpu.memref_squeeze %dma_start3A_33 : memref<1x16x1280xf32, #tpu.memory_space<hbm>> -> memref<16x1280xf32, #tpu.memory_space<hbm>>
    %dma_start3A_35 = arith.constant 0 : i32
    %dma_start3A_36 = tpu.memref_slice %arg3[%squeeze3A, %add3A_32, %dma_start3A_35] : memref<16x1601x1280xf32, #tpu.memory_space<hbm>> -> memref<1x16x1280xf32, #tpu.memory_space<hbm>>
    %dma_start3A_37 = tpu.memref_squeeze %dma_start3A_36 : memref<1x16x1280xf32, #tpu.memory_space<hbm>> -> memref<16x1280xf32, #tpu.memory_space<hbm>>
    tpu.enqueue_dma source(%dma_start3A_37 : memref<16x1280xf32, #tpu.memory_space<hbm>>) target(%arg11 : memref<16x1280xf32, #tpu.memory_space<vmem>>) target_semaphore(%arg19 : memref<!tpu.dma_semaphore, #tpu.memory_space<semaphore_mem>>)
    %add3A_38 = arith.constant 1216 : i32
    %add3A_39 = arith.addi %add3A_38, %mul3A_26 : i32
    %dma_start3A_40 = arith.constant 0 : i32
    %dma_start3A_41 = tpu.memref_slice %arg2[%rem3A_7, %add3A_39, %dma_start3A_40] : memref<32x1601x1280xf32, #tpu.memory_space<hbm>> -> memref<1x16x1280xf32, #tpu.memory_space<hbm>>
    %dma_start3A_42 = tpu.memref_squeeze %dma_start3A_41 : memref<1x16x1280xf32, #tpu.memory_space<hbm>> -> memref<16x1280xf32, #tpu.memory_space<hbm>>
    %dma_start3A_43 = arith.constant 0 : i32
    %dma_start3A_44 = tpu.memref_slice %arg2[%rem3A_7, %add3A_39, %dma_start3A_43] : memref<32x1601x1280xf32, #tpu.memory_space<hbm>> -> memref<1x16x1280xf32, #tpu.memory_space<hbm>>
    %dma_start3A_45 = tpu.memref_squeeze %dma_start3A_44 : memref<1x16x1280xf32, #tpu.memory_space<hbm>> -> memref<16x1280xf32, #tpu.memory_space<hbm>>
    tpu.enqueue_dma source(%dma_start3A_45 : memref<16x1280xf32, #tpu.memory_space<hbm>>) target(%arg9 : memref<16x1280xf32, #tpu.memory_space<vmem>>) target_semaphore(%arg17 : memref<!tpu.dma_semaphore, #tpu.memory_space<semaphore_mem>>)
    %scan3A = arith.constant 0 : i32
    %scan3A_46 = arith.constant 0 : i32
    %scan3A_47 = arith.constant 12 : i32
    %scan3A_48 = arith.addi %scan3A_46, %scan3A_47 : i32
    %scan3A_49 = arith.constant 1 : i32
    scf.for %scan3A_70 = %scan3A_46 to %scan3A_48 step %scan3A_49  : i32 {
      %mul3A_71 = arith.constant 2 : i32
      %mul3A_72 = arith.muli %mul3A_71, %scan3A_70 : i32
      %add3A_73 = arith.addi %mul3A_6, %mul3A_72 : i32
      %add3A_74 = arith.constant 1 : i32
      %add3A_75 = arith.addi %add3A_73, %add3A_74 : i32
      %eq3A_76 = arith.constant 0 : i32
      %eq3A_77 = arith.cmpi eq, %scan3A_70, %eq3A_76 : i32
      %rem3A_78 = arith.constant 32 : i32
      %rem3A_79 = arith.remsi %add3A_73, %rem3A_78 : i32
      %eq3A_80 = arith.constant 0 : i32
      %eq3A_81 = arith.cmpi eq, %rem3A_79, %eq3A_80 : i32
      %or3A = arith.ori %eq3A_77, %eq3A_81 : i1
      %convert_element_type3A_82 = arith.extui %or3A : i1 to i32
      %cond3A_83 = arith.constant 0 : i32
      %cond3A_84 = arith.cmpi ne, %convert_element_type3A_82, %cond3A_83 : i32
      scf.if %cond3A_84 {
        %jit3A_271 = arith.constant 32 : i32
        %div3A_272 = arith.divsi %add3A_73, %jit3A_271 : i32
        %sign3A_273 = arith.constant 0 : i32
        %sign3A_274 = arith.cmpi sgt, %add3A_73, %sign3A_273 : i32
        %sign3A_275 = arith.extui %sign3A_274 : i1 to i32
        %sign3A_276 = arith.constant 0 : i32
        %sign3A_277 = arith.cmpi slt, %add3A_73, %sign3A_276 : i32
        %sign3A_278 = arith.extui %sign3A_277 : i1 to i32
        %sign3A_279 = arith.subi %sign3A_275, %sign3A_278 : i32
        %sign3A_280 = arith.constant 0 : i32
        %sign3A_281 = arith.cmpi sgt, %jit3A_271, %sign3A_280 : i32
        %sign3A_282 = arith.extui %sign3A_281 : i1 to i32
        %sign3A_283 = arith.constant 0 : i32
        %sign3A_284 = arith.cmpi slt, %jit3A_271, %sign3A_283 : i32
        %sign3A_285 = arith.extui %sign3A_284 : i1 to i32
        %sign3A_286 = arith.subi %sign3A_282, %sign3A_285 : i32
        %ne3A_287 = arith.cmpi ne, %sign3A_279, %sign3A_286 : i32
        %rem3A_288 = arith.remsi %add3A_73, %jit3A_271 : i32
        %ne3A_289 = arith.constant 0 : i32
        %ne3A_290 = arith.cmpi ne, %rem3A_288, %ne3A_289 : i32
        %and3A_291 = arith.andi %ne3A_287, %ne3A_290 : i1
        %sub3A_292 = arith.constant 1 : i32
        %sub3A_293 = arith.subi %div3A_272, %sub3A_292 : i32
        %select_n3A_294 = arith.select %and3A_291, %sub3A_293, %div3A_272 : i32
        %mul3A_295 = arith.constant 16 : i32
        %mul3A_296 = arith.muli %select_n3A_294, %mul3A_295 : i32
        %add3A_297 = arith.constant 1216 : i32
        %add3A_298 = arith.addi %add3A_297, %mul3A_296 : i32
        "tpu.region"() ({
          %run_scoped3A = tpu.sem_alloc : memref<!tpu.dma_semaphore, #tpu.memory_space<semaphore_mem>>
          %dma_start3A_305 = arith.constant 0 : i32
          %dma_start3A_306 = tpu.memref_slice %arg4[%add3A_298, %dma_start3A_305] : memref<1601x1280xf32, #tpu.memory_space<hbm>> -> memref<16x1280xf32, #tpu.memory_space<hbm>>
          %dma_start3A_307 = arith.constant 0 : i32
          %dma_start3A_308 = tpu.memref_slice %arg4[%add3A_298, %dma_start3A_307] : memref<1601x1280xf32, #tpu.memory_space<hbm>> -> memref<16x1280xf32, #tpu.memory_space<hbm>>
          tpu.enqueue_dma source(%dma_start3A_308 : memref<16x1280xf32, #tpu.memory_space<hbm>>) target(%arg13 : memref<16x1280xf32, #tpu.memory_space<vmem>>) target_semaphore(%run_scoped3A : memref<!tpu.dma_semaphore, #tpu.memory_space<semaphore_mem>>)
          %dma_wait3A_309 = arith.constant 0 : i32
          %dma_wait3A_310 = tpu.memref_slice %arg4[%add3A_298, %dma_wait3A_309] : memref<1601x1280xf32, #tpu.memory_space<hbm>> -> memref<16x1280xf32, #tpu.memory_space<hbm>>
          %dma_wait3A_311 = arith.constant 0 : i32
          %dma_wait3A_312 = tpu.memref_slice %arg4[%add3A_298, %dma_wait3A_311] : memref<1601x1280xf32, #tpu.memory_space<hbm>> -> memref<16x1280xf32, #tpu.memory_space<hbm>>
          tpu.wait_dma2 semaphore(%run_scoped3A : memref<!tpu.dma_semaphore, #tpu.memory_space<semaphore_mem>>) src(%dma_wait3A_312 : memref<16x1280xf32, #tpu.memory_space<hbm>>) dst(%arg13 : memref<16x1280xf32, #tpu.memory_space<vmem>>)
          tpu.yield
        }) : () -> ()
        %scan3A_299 = arith.constant 0 : i32
        %scan3A_300 = arith.constant 0 : i32
        %scan3A_301 = arith.constant 16 : i32
        %scan3A_302 = arith.addi %scan3A_300, %scan3A_301 : i32
        %scan3A_303 = arith.constant 1 : i32
        scf.for %scan3A_305 = %scan3A_300 to %scan3A_302 step %scan3A_303  : i32 {
          %scan3A_306 = arith.constant 0 : i32
          %scan3A_307 = arith.constant 80 : i32
          %scan3A_308 = arith.addi %scan3A_306, %scan3A_307 : i32
          %scan3A_309 = arith.constant 1 : i32
          scf.for %scan3A_311 = %scan3A_306 to %scan3A_308 step %scan3A_309  : i32 {
            %mul3A_312 = arith.constant 16 : i32
            %mul3A_313 = arith.muli %scan3A_311, %mul3A_312 : i32
            %get3A_314 = arith.index_cast %scan3A_305 : i32 to index
            %get3A_315 = arith.index_cast %mul3A_313 : i32 to index
            %get3A_316 = tpu.vector_load %arg13[%get3A_314, %get3A_315] {strides = array<i32>} : memref<16x1280xf32, #tpu.memory_space<vmem>>, vector<1x16xf32>,
            %get3A_317 = vector.shape_cast %get3A_316 : vector<1x16xf32> to vector<16xf32>
            %mul3A_318 = arith.mulf %get3A_4, %get3A_317 : vector<16xf32>
            %swap3A = arith.index_cast %scan3A_305 : i32 to index
            %swap3A_319 = arith.index_cast %mul3A_313 : i32 to index
            %swap3A_320 = tpu.vector_load %arg13[%swap3A, %swap3A_319] {strides = array<i32>} : memref<16x1280xf32, #tpu.memory_space<vmem>>, vector<1x16xf32>,
            %swap3A_321 = vector.shape_cast %swap3A_320 : vector<1x16xf32> to vector<16xf32>
            %swap3A_322 = vector.shape_cast %mul3A_318 : vector<16xf32> to vector<1x16xf32>
            tpu.vector_store %arg13[%swap3A, %swap3A_319], %swap3A_322 {strides = array<i32>} : memref<16x1280xf32, #tpu.memory_space<vmem>>, vector<1x16xf32>,
          }
          %scan3A_310 = arith.constant 80 : i32
        }
        %scan3A_304 = arith.constant 16 : i32
      } else {
      }
      %ge3A = arith.constant 1 : i32
      %ge3A_85 = arith.cmpi sge, %scan3A_70, %ge3A : i32
      %convert_element_type3A_86 = arith.extui %ge3A_85 : i1 to i32
      %cond3A_87 = arith.constant 0 : i32
      %cond3A_88 = arith.cmpi ne, %convert_element_type3A_86, %cond3A_87 : i32
      scf.if %cond3A_88 {
        %dma_wait3A_271 = arith.constant 0 : i32
        %dma_wait3A_272 = arith.constant 0 : i32
        %dma_wait3A_273 = arith.constant 0 : i32
        %dma_wait3A_274 = tpu.memref_slice %arg8[%dma_wait3A_271, %dma_wait3A_272, %dma_wait3A_273] : memref<32x385x1280xf32, #tpu.memory_space<hbm>> -> memref<1x16x1280xf32, #tpu.memory_space<hbm>>
        %dma_wait3A_275 = tpu.memref_squeeze %dma_wait3A_274 : memref<1x16x1280xf32, #tpu.memory_space<hbm>> -> memref<16x1280xf32, #tpu.memory_space<hbm>>
        %dma_wait3A_276 = arith.constant 0 : i32
        %dma_wait3A_277 = arith.constant 0 : i32
        %dma_wait3A_278 = tpu.memref_slice %arg8[%dma_wait3A_271, %dma_wait3A_276, %dma_wait3A_277] : memref<32x385x1280xf32, #tpu.memory_space<hbm>> -> memref<1x16x1280xf32, #tpu.memory_space<hbm>>
        %dma_wait3A_279 = tpu.memref_squeeze %dma_wait3A_278 : memref<1x16x1280xf32, #tpu.memory_space<hbm>> -> memref<16x1280xf32, #tpu.memory_space<hbm>>
        tpu.wait_dma2 semaphore(%arg22 : memref<!tpu.dma_semaphore, #tpu.memory_space<semaphore_mem>>) src(%arg10 : memref<16x1280xf32, #tpu.memory_space<vmem>>) dst(%dma_wait3A_279 : memref<16x1280xf32, #tpu.memory_space<hbm>>)
      } else {
      }
      %rem3A_89 = arith.constant 32 : i32
      %rem3A_90 = arith.remsi %add3A_75, %rem3A_89 : i32
      %jit3A_91 = arith.constant 32 : i32
      %div3A_92 = arith.divsi %add3A_75, %jit3A_91 : i32
      %sign3A_93 = arith.constant 0 : i32
      %sign3A_94 = arith.cmpi sgt, %add3A_75, %sign3A_93 : i32
      %sign3A_95 = arith.extui %sign3A_94 : i1 to i32
      %sign3A_96 = arith.constant 0 : i32
      %sign3A_97 = arith.cmpi slt, %add3A_75, %sign3A_96 : i32
      %sign3A_98 = arith.extui %sign3A_97 : i1 to i32
      %sign3A_99 = arith.subi %sign3A_95, %sign3A_98 : i32
      %sign3A_100 = arith.constant 0 : i32
      %sign3A_101 = arith.cmpi sgt, %jit3A_91, %sign3A_100 : i32
      %sign3A_102 = arith.extui %sign3A_101 : i1 to i32
      %sign3A_103 = arith.constant 0 : i32
      %sign3A_104 = arith.cmpi slt, %jit3A_91, %sign3A_103 : i32
      %sign3A_105 = arith.extui %sign3A_104 : i1 to i32
      %sign3A_106 = arith.subi %sign3A_102, %sign3A_105 : i32
      %ne3A_107 = arith.cmpi ne, %sign3A_99, %sign3A_106 : i32
      %rem3A_108 = arith.remsi %add3A_75, %jit3A_91 : i32
      %ne3A_109 = arith.constant 0 : i32
      %ne3A_110 = arith.cmpi ne, %rem3A_108, %ne3A_109 : i32
      %and3A_111 = arith.andi %ne3A_107, %ne3A_110 : i1
      %sub3A_112 = arith.constant 1 : i32
      %sub3A_113 = arith.subi %div3A_92, %sub3A_112 : i32
      %select_n3A_114 = arith.select %and3A_111, %sub3A_113, %div3A_92 : i32
      %mul3A_115 = arith.constant 16 : i32
      %mul3A_116 = arith.muli %select_n3A_114, %mul3A_115 : i32
      %get3A_117 = arith.index_cast %rem3A_90 : i32 to index
      %get3A_118 = arith.constant 0 : index
      %get3A_119 = tpu.vector_load %arg14[%get3A_117, %get3A_118] {strides = array<i32>} : memref<32x128xi32, #tpu.memory_space<vmem>>, vector<1x16xi32>,
      %get3A_120 = vector.shape_cast %get3A_119 : vector<1x16xi32> to vector<16xi32>
      %slice3A_121 = vector.extract_strided_slice %get3A_120 {offsets = [0], sizes = [1], strides = [1]} : vector<16xi32> to vector<1xi32>
      %squeeze3A_122 = vector.extract %slice3A_121[0] : i32 from vector<1xi32>
      %add3A_123 = arith.constant 1216 : i32
      %add3A_124 = arith.addi %add3A_123, %mul3A_116 : i32
      %dma_start3A_125 = arith.constant 0 : i32
      %dma_start3A_126 = tpu.memref_slice %arg3[%squeeze3A_122, %add3A_124, %dma_start3A_125] : memref<16x1601x1280xf32, #tpu.memory_space<hbm>> -> memref<1x16x1280xf32, #tpu.memory_space<hbm>>
      %dma_start3A_127 = tpu.memref_squeeze %dma_start3A_126 : memref<1x16x1280xf32, #tpu.memory_space<hbm>> -> memref<16x1280xf32, #tpu.memory_space<hbm>>
      %dma_start3A_128 = arith.constant 0 : i32
      %dma_start3A_129 = tpu.memref_slice %arg3[%squeeze3A_122, %add3A_124, %dma_start3A_128] : memref<16x1601x1280xf32, #tpu.memory_space<hbm>> -> memref<1x16x1280xf32, #tpu.memory_space<hbm>>
      %dma_start3A_130 = tpu.memref_squeeze %dma_start3A_129 : memref<1x16x1280xf32, #tpu.memory_space<hbm>> -> memref<16x1280xf32, #tpu.memory_space<hbm>>
      tpu.enqueue_dma source(%dma_start3A_130 : memref<16x1280xf32, #tpu.memory_space<hbm>>) target(%arg12 : memref<16x1280xf32, #tpu.memory_space<vmem>>) target_semaphore(%arg20 : memref<!tpu.dma_semaphore, #tpu.memory_space<semaphore_mem>>)
      %add3A_131 = arith.constant 1216 : i32
      %add3A_132 = arith.addi %add3A_131, %mul3A_116 : i32
      %dma_start3A_133 = arith.constant 0 : i32
      %dma_start3A_134 = tpu.memref_slice %arg2[%rem3A_90, %add3A_132, %dma_start3A_133] : memref<32x1601x1280xf32, #tpu.memory_space<hbm>> -> memref<1x16x1280xf32, #tpu.memory_space<hbm>>
      %dma_start3A_135 = tpu.memref_squeeze %dma_start3A_134 : memref<1x16x1280xf32, #tpu.memory_space<hbm>> -> memref<16x1280xf32, #tpu.memory_space<hbm>>
      %dma_start3A_136 = arith.constant 0 : i32
      %dma_start3A_137 = tpu.memref_slice %arg2[%rem3A_90, %add3A_132, %dma_start3A_136] : memref<32x1601x1280xf32, #tpu.memory_space<hbm>> -> memref<1x16x1280xf32, #tpu.memory_space<hbm>>
      %dma_start3A_138 = tpu.memref_squeeze %dma_start3A_137 : memref<1x16x1280xf32, #tpu.memory_space<hbm>> -> memref<16x1280xf32, #tpu.memory_space<hbm>>
      tpu.enqueue_dma source(%dma_start3A_138 : memref<16x1280xf32, #tpu.memory_space<hbm>>) target(%arg10 : memref<16x1280xf32, #tpu.memory_space<vmem>>) target_semaphore(%arg18 : memref<!tpu.dma_semaphore, #tpu.memory_space<semaphore_mem>>)
      %dma_wait3A_139 = arith.constant 0 : i32
      %dma_wait3A_140 = arith.constant 0 : i32
      %dma_wait3A_141 = arith.constant 0 : i32
      %dma_wait3A_142 = tpu.memref_slice %arg2[%dma_wait3A_139, %dma_wait3A_140, %dma_wait3A_141] : memref<32x1601x1280xf32, #tpu.memory_space<hbm>> -> memref<1x16x1280xf32, #tpu.memory_space<hbm>>
      %dma_wait3A_143 = tpu.memref_squeeze %dma_wait3A_142 : memref<1x16x1280xf32, #tpu.memory_space<hbm>> -> memref<16x1280xf32, #tpu.memory_space<hbm>>
      %dma_wait3A_144 = arith.constant 0 : i32
      %dma_wait3A_145 = arith.constant 0 : i32
      %dma_wait3A_146 = tpu.memref_slice %arg2[%dma_wait3A_139, %dma_wait3A_144, %dma_wait3A_145] : memref<32x1601x1280xf32, #tpu.memory_space<hbm>> -> memref<1x16x1280xf32, #tpu.memory_space<hbm>>
      %dma_wait3A_147 = tpu.memref_squeeze %dma_wait3A_146 : memref<1x16x1280xf32, #tpu.memory_space<hbm>> -> memref<16x1280xf32, #tpu.memory_space<hbm>>
      tpu.wait_dma2 semaphore(%arg17 : memref<!tpu.dma_semaphore, #tpu.memory_space<semaphore_mem>>) src(%dma_wait3A_147 : memref<16x1280xf32, #tpu.memory_space<hbm>>) dst(%arg9 : memref<16x1280xf32, #tpu.memory_space<vmem>>)
      %dma_wait3A_148 = arith.constant 0 : i32
      %dma_wait3A_149 = arith.constant 0 : i32
      %dma_wait3A_150 = arith.constant 0 : i32
      %dma_wait3A_151 = tpu.memref_slice %arg2[%dma_wait3A_148, %dma_wait3A_149, %dma_wait3A_150] : memref<32x1601x1280xf32, #tpu.memory_space<hbm>> -> memref<1x16x1280xf32, #tpu.memory_space<hbm>>
      %dma_wait3A_152 = tpu.memref_squeeze %dma_wait3A_151 : memref<1x16x1280xf32, #tpu.memory_space<hbm>> -> memref<16x1280xf32, #tpu.memory_space<hbm>>
      %dma_wait3A_153 = arith.constant 0 : i32
      %dma_wait3A_154 = arith.constant 0 : i32
      %dma_wait3A_155 = tpu.memref_slice %arg2[%dma_wait3A_148, %dma_wait3A_153, %dma_wait3A_154] : memref<32x1601x1280xf32, #tpu.memory_space<hbm>> -> memref<1x16x1280xf32, #tpu.memory_space<hbm>>
      %dma_wait3A_156 = tpu.memref_squeeze %dma_wait3A_155 : memref<1x16x1280xf32, #tpu.memory_space<hbm>> -> memref<16x1280xf32, #tpu.memory_space<hbm>>
      tpu.wait_dma2 semaphore(%arg19 : memref<!tpu.dma_semaphore, #tpu.memory_space<semaphore_mem>>) src(%dma_wait3A_156 : memref<16x1280xf32, #tpu.memory_space<hbm>>) dst(%arg11 : memref<16x1280xf32, #tpu.memory_space<vmem>>)
      %rem3A_157 = arith.constant 32 : i32
      %rem3A_158 = arith.remsi %add3A_73, %rem3A_157 : i32
      %get3A_159 = arith.index_cast %rem3A_158 : i32 to index
      %get3A_160 = arith.constant 0 : index
      %get3A_161 = tpu.vector_load %arg15[%get3A_159, %get3A_160] {strides = array<i32>} : memref<32x128xf32, #tpu.memory_space<vmem>>, vector<1x16xf32>,
      %get3A_162 = vector.shape_cast %get3A_161 : vector<1x16xf32> to vector<16xf32>
      %scan3A_163 = arith.constant 0 : i32
      %scan3A_164 = arith.constant 0 : i32
      %scan3A_165 = arith.constant 16 : i32
      %scan3A_166 = arith.addi %scan3A_164, %scan3A_165 : i32
      %scan3A_167 = arith.constant 1 : i32
      scf.for %scan3A_271 = %scan3A_164 to %scan3A_166 step %scan3A_167  : i32 {
        %scan3A_272 = arith.constant 0 : i32
        %scan3A_273 = arith.constant 10 : i32
        %scan3A_274 = arith.addi %scan3A_272, %scan3A_273 : i32
        %scan3A_275 = arith.constant 1 : i32
        scf.for %scan3A_277 = %scan3A_272 to %scan3A_274 step %scan3A_275  : i32 {
          %mul3A_278 = arith.constant 128 : i32
          %mul3A_279 = arith.muli %scan3A_277, %mul3A_278 : i32
          %add3A_280 = arith.constant 0 : i32
          %add3A_281 = arith.addi %mul3A_279, %add3A_280 : i32
          %get3A_282 = arith.index_cast %scan3A_271 : i32 to index
          %get3A_283 = arith.index_cast %add3A_281 : i32 to index
          %get3A_284 = tpu.vector_load %arg9[%get3A_282, %get3A_283] {strides = array<i32>} : memref<16x1280xf32, #tpu.memory_space<vmem>>, vector<1x16xf32>,
          %get3A_285 = vector.shape_cast %get3A_284 : vector<1x16xf32> to vector<16xf32>
          %get3A_286 = arith.index_cast %scan3A_271 : i32 to index
          %get3A_287 = arith.index_cast %add3A_281 : i32 to index
          %get3A_288 = tpu.vector_load %arg13[%get3A_286, %get3A_287] {strides = array<i32>} : memref<16x1280xf32, #tpu.memory_space<vmem>>, vector<1x16xf32>,
          %get3A_289 = vector.shape_cast %get3A_288 : vector<1x16xf32> to vector<16xf32>
          %add3A_290 = arith.addf %get3A_285, %get3A_289 : vector<16xf32>
          %get3A_291 = arith.index_cast %scan3A_271 : i32 to index
          %get3A_292 = arith.index_cast %add3A_281 : i32 to index
          %get3A_293 = tpu.vector_load %arg11[%get3A_291, %get3A_292] {strides = array<i32>} : memref<16x1280xf32, #tpu.memory_space<vmem>>, vector<1x16xf32>,
          %get3A_294 = vector.shape_cast %get3A_293 : vector<1x16xf32> to vector<16xf32>
          %mul3A_295 = arith.mulf %get3A_162, %get3A_294 : vector<16xf32>
          %add3A_296 = arith.addf %add3A_290, %mul3A_295 : vector<16xf32>
          %swap3A = arith.index_cast %scan3A_271 : i32 to index
          %swap3A_297 = arith.index_cast %add3A_281 : i32 to index
          %swap3A_298 = tpu.vector_load %arg9[%swap3A, %swap3A_297] {strides = array<i32>} : memref<16x1280xf32, #tpu.memory_space<vmem>>, vector<1x16xf32>,
          %swap3A_299 = vector.shape_cast %swap3A_298 : vector<1x16xf32> to vector<16xf32>
          %swap3A_300 = vector.shape_cast %add3A_296 : vector<16xf32> to vector<1x16xf32>
          tpu.vector_store %arg9[%swap3A, %swap3A_297], %swap3A_300 {strides = array<i32>} : memref<16x1280xf32, #tpu.memory_space<vmem>>, vector<1x16xf32>,
          %mul3A_301 = arith.constant 128 : i32
          %mul3A_302 = arith.muli %scan3A_277, %mul3A_301 : i32
          %add3A_303 = arith.constant 16 : i32
          %add3A_304 = arith.addi %mul3A_302, %add3A_303 : i32
          %get3A_305 = arith.index_cast %scan3A_271 : i32 to index
          %get3A_306 = arith.index_cast %add3A_304 : i32 to index
          %get3A_307 = tpu.vector_load %arg9[%get3A_305, %get3A_306] {strides = array<i32>} : memref<16x1280xf32, #tpu.memory_space<vmem>>, vector<1x16xf32>,
          %get3A_308 = vector.shape_cast %get3A_307 : vector<1x16xf32> to vector<16xf32>
          %get3A_309 = arith.index_cast %scan3A_271 : i32 to index
          %get3A_310 = arith.index_cast %add3A_304 : i32 to index
          %get3A_311 = tpu.vector_load %arg13[%get3A_309, %get3A_310] {strides = array<i32>} : memref<16x1280xf32, #tpu.memory_space<vmem>>, vector<1x16xf32>,
          %get3A_312 = vector.shape_cast %get3A_311 : vector<1x16xf32> to vector<16xf32>
          %add3A_313 = arith.addf %get3A_308, %get3A_312 : vector<16xf32>
          %get3A_314 = arith.index_cast %scan3A_271 : i32 to index
          %get3A_315 = arith.index_cast %add3A_304 : i32 to index
          %get3A_316 = tpu.vector_load %arg11[%get3A_314, %get3A_315] {strides = array<i32>} : memref<16x1280xf32, #tpu.memory_space<vmem>>, vector<1x16xf32>,
          %get3A_317 = vector.shape_cast %get3A_316 : vector<1x16xf32> to vector<16xf32>
          %mul3A_318 = arith.mulf %get3A_162, %get3A_317 : vector<16xf32>
          %add3A_319 = arith.addf %add3A_313, %mul3A_318 : vector<16xf32>
          %swap3A_320 = arith.index_cast %scan3A_271 : i32 to index
          %swap3A_321 = arith.index_cast %add3A_304 : i32 to index
          %swap3A_322 = tpu.vector_load %arg9[%swap3A_320, %swap3A_321] {strides = array<i32>} : memref<16x1280xf32, #tpu.memory_space<vmem>>, vector<1x16xf32>,
          %swap3A_323 = vector.shape_cast %swap3A_322 : vector<1x16xf32> to vector<16xf32>
          %swap3A_324 = vector.shape_cast %add3A_319 : vector<16xf32> to vector<1x16xf32>
          tpu.vector_store %arg9[%swap3A_320, %swap3A_321], %swap3A_324 {strides = array<i32>} : memref<16x1280xf32, #tpu.memory_space<vmem>>, vector<1x16xf32>,
          %mul3A_325 = arith.constant 128 : i32
          %mul3A_326 = arith.muli %scan3A_277, %mul3A_325 : i32
          %add3A_327 = arith.constant 32 : i32
          %add3A_328 = arith.addi %mul3A_326, %add3A_327 : i32
          %get3A_329 = arith.index_cast %scan3A_271 : i32 to index
          %get3A_330 = arith.index_cast %add3A_328 : i32 to index
          %get3A_331 = tpu.vector_load %arg9[%get3A_329, %get3A_330] {strides = array<i32>} : memref<16x1280xf32, #tpu.memory_space<vmem>>, vector<1x16xf32>,
          %get3A_332 = vector.shape_cast %get3A_331 : vector<1x16xf32> to vector<16xf32>
          %get3A_333 = arith.index_cast %scan3A_271 : i32 to index
          %get3A_334 = arith.index_cast %add3A_328 : i32 to index
          %get3A_335 = tpu.vector_load %arg13[%get3A_333, %get3A_334] {strides = array<i32>} : memref<16x1280xf32, #tpu.memory_space<vmem>>, vector<1x16xf32>,
          %get3A_336 = vector.shape_cast %get3A_335 : vector<1x16xf32> to vector<16xf32>
          %add3A_337 = arith.addf %get3A_332, %get3A_336 : vector<16xf32>
          %get3A_338 = arith.index_cast %scan3A_271 : i32 to index
          %get3A_339 = arith.index_cast %add3A_328 : i32 to index
          %get3A_340 = tpu.vector_load %arg11[%get3A_338, %get3A_339] {strides = array<i32>} : memref<16x1280xf32, #tpu.memory_space<vmem>>, vector<1x16xf32>,
          %get3A_341 = vector.shape_cast %get3A_340 : vector<1x16xf32> to vector<16xf32>
          %mul3A_342 = arith.mulf %get3A_162, %get3A_341 : vector<16xf32>
          %add3A_343 = arith.addf %add3A_337, %mul3A_342 : vector<16xf32>
          %swap3A_344 = arith.index_cast %scan3A_271 : i32 to index
          %swap3A_345 = arith.index_cast %add3A_328 : i32 to index
          %swap3A_346 = tpu.vector_load %arg9[%swap3A_344, %swap3A_345] {strides = array<i32>} : memref<16x1280xf32, #tpu.memory_space<vmem>>, vector<1x16xf32>,
          %swap3A_347 = vector.shape_cast %swap3A_346 : vector<1x16xf32> to vector<16xf32>
          %swap3A_348 = vector.shape_cast %add3A_343 : vector<16xf32> to vector<1x16xf32>
          tpu.vector_store %arg9[%swap3A_344, %swap3A_345], %swap3A_348 {strides = array<i32>} : memref<16x1280xf32, #tpu.memory_space<vmem>>, vector<1x16xf32>,
          %mul3A_349 = arith.constant 128 : i32
          %mul3A_350 = arith.muli %scan3A_277, %mul3A_349 : i32
          %add3A_351 = arith.constant 48 : i32
          %add3A_352 = arith.addi %mul3A_350, %add3A_351 : i32
          %get3A_353 = arith.index_cast %scan3A_271 : i32 to index
          %get3A_354 = arith.index_cast %add3A_352 : i32 to index
          %get3A_355 = tpu.vector_load %arg9[%get3A_353, %get3A_354] {strides = array<i32>} : memref<16x1280xf32, #tpu.memory_space<vmem>>, vector<1x16xf32>,
          %get3A_356 = vector.shape_cast %get3A_355 : vector<1x16xf32> to vector<16xf32>
          %get3A_357 = arith.index_cast %scan3A_271 : i32 to index
          %get3A_358 = arith.index_cast %add3A_352 : i32 to index
          %get3A_359 = tpu.vector_load %arg13[%get3A_357, %get3A_358] {strides = array<i32>} : memref<16x1280xf32, #tpu.memory_space<vmem>>, vector<1x16xf32>,
          %get3A_360 = vector.shape_cast %get3A_359 : vector<1x16xf32> to vector<16xf32>
          %add3A_361 = arith.addf %get3A_356, %get3A_360 : vector<16xf32>
          %get3A_362 = arith.index_cast %scan3A_271 : i32 to index
          %get3A_363 = arith.index_cast %add3A_352 : i32 to index
          %get3A_364 = tpu.vector_load %arg11[%get3A_362, %get3A_363] {strides = array<i32>} : memref<16x1280xf32, #tpu.memory_space<vmem>>, vector<1x16xf32>,
          %get3A_365 = vector.shape_cast %get3A_364 : vector<1x16xf32> to vector<16xf32>
          %mul3A_366 = arith.mulf %get3A_162, %get3A_365 : vector<16xf32>
          %add3A_367 = arith.addf %add3A_361, %mul3A_366 : vector<16xf32>
          %swap3A_368 = arith.index_cast %scan3A_271 : i32 to index
          %swap3A_369 = arith.index_cast %add3A_352 : i32 to index
          %swap3A_370 = tpu.vector_load %arg9[%swap3A_368, %swap3A_369] {strides = array<i32>} : memref<16x1280xf32, #tpu.memory_space<vmem>>, vector<1x16xf32>,
          %swap3A_371 = vector.shape_cast %swap3A_370 : vector<1x16xf32> to vector<16xf32>
          %swap3A_372 = vector.shape_cast %add3A_367 : vector<16xf32> to vector<1x16xf32>
          tpu.vector_store %arg9[%swap3A_368, %swap3A_369], %swap3A_372 {strides = array<i32>} : memref<16x1280xf32, #tpu.memory_space<vmem>>, vector<1x16xf32>,
          %mul3A_373 = arith.constant 128 : i32
          %mul3A_374 = arith.muli %scan3A_277, %mul3A_373 : i32
          %add3A_375 = arith.constant 64 : i32
          %add3A_376 = arith.addi %mul3A_374, %add3A_375 : i32
          %get3A_377 = arith.index_cast %scan3A_271 : i32 to index
          %get3A_378 = arith.index_cast %add3A_376 : i32 to index
          %get3A_379 = tpu.vector_load %arg9[%get3A_377, %get3A_378] {strides = array<i32>} : memref<16x1280xf32, #tpu.memory_space<vmem>>, vector<1x16xf32>,
          %get3A_380 = vector.shape_cast %get3A_379 : vector<1x16xf32> to vector<16xf32>
          %get3A_381 = arith.index_cast %scan3A_271 : i32 to index
          %get3A_382 = arith.index_cast %add3A_376 : i32 to index
          %get3A_383 = tpu.vector_load %arg13[%get3A_381, %get3A_382] {strides = array<i32>} : memref<16x1280xf32, #tpu.memory_space<vmem>>, vector<1x16xf32>,
          %get3A_384 = vector.shape_cast %get3A_383 : vector<1x16xf32> to vector<16xf32>
          %add3A_385 = arith.addf %get3A_380, %get3A_384 : vector<16xf32>
          %get3A_386 = arith.index_cast %scan3A_271 : i32 to index
          %get3A_387 = arith.index_cast %add3A_376 : i32 to index
          %get3A_388 = tpu.vector_load %arg11[%get3A_386, %get3A_387] {strides = array<i32>} : memref<16x1280xf32, #tpu.memory_space<vmem>>, vector<1x16xf32>,
          %get3A_389 = vector.shape_cast %get3A_388 : vector<1x16xf32> to vector<16xf32>
          %mul3A_390 = arith.mulf %get3A_162, %get3A_389 : vector<16xf32>
          %add3A_391 = arith.addf %add3A_385, %mul3A_390 : vector<16xf32>
          %swap3A_392 = arith.index_cast %scan3A_271 : i32 to index
          %swap3A_393 = arith.index_cast %add3A_376 : i32 to index
          %swap3A_394 = tpu.vector_load %arg9[%swap3A_392, %swap3A_393] {strides = array<i32>} : memref<16x1280xf32, #tpu.memory_space<vmem>>, vector<1x16xf32>,
          %swap3A_395 = vector.shape_cast %swap3A_394 : vector<1x16xf32> to vector<16xf32>
          %swap3A_396 = vector.shape_cast %add3A_391 : vector<16xf32> to vector<1x16xf32>
          tpu.vector_store %arg9[%swap3A_392, %swap3A_393], %swap3A_396 {strides = array<i32>} : memref<16x1280xf32, #tpu.memory_space<vmem>>, vector<1x16xf32>,
          %mul3A_397 = arith.constant 128 : i32
          %mul3A_398 = arith.muli %scan3A_277, %mul3A_397 : i32
          %add3A_399 = arith.constant 80 : i32
          %add3A_400 = arith.addi %mul3A_398, %add3A_399 : i32
          %get3A_401 = arith.index_cast %scan3A_271 : i32 to index
          %get3A_402 = arith.index_cast %add3A_400 : i32 to index
          %get3A_403 = tpu.vector_load %arg9[%get3A_401, %get3A_402] {strides = array<i32>} : memref<16x1280xf32, #tpu.memory_space<vmem>>, vector<1x16xf32>,
          %get3A_404 = vector.shape_cast %get3A_403 : vector<1x16xf32> to vector<16xf32>
          %get3A_405 = arith.index_cast %scan3A_271 : i32 to index
          %get3A_406 = arith.index_cast %add3A_400 : i32 to index
          %get3A_407 = tpu.vector_load %arg13[%get3A_405, %get3A_406] {strides = array<i32>} : memref<16x1280xf32, #tpu.memory_space<vmem>>, vector<1x16xf32>,
          %get3A_408 = vector.shape_cast %get3A_407 : vector<1x16xf32> to vector<16xf32>
          %add3A_409 = arith.addf %get3A_404, %get3A_408 : vector<16xf32>
          %get3A_410 = arith.index_cast %scan3A_271 : i32 to index
          %get3A_411 = arith.index_cast %add3A_400 : i32 to index
          %get3A_412 = tpu.vector_load %arg11[%get3A_410, %get3A_411] {strides = array<i32>} : memref<16x1280xf32, #tpu.memory_space<vmem>>, vector<1x16xf32>,
          %get3A_413 = vector.shape_cast %get3A_412 : vector<1x16xf32> to vector<16xf32>
          %mul3A_414 = arith.mulf %get3A_162, %get3A_413 : vector<16xf32>
          %add3A_415 = arith.addf %add3A_409, %mul3A_414 : vector<16xf32>
          %swap3A_416 = arith.index_cast %scan3A_271 : i32 to index
          %swap3A_417 = arith.index_cast %add3A_400 : i32 to index
          %swap3A_418 = tpu.vector_load %arg9[%swap3A_416, %swap3A_417] {strides = array<i32>} : memref<16x1280xf32, #tpu.memory_space<vmem>>, vector<1x16xf32>,
          %swap3A_419 = vector.shape_cast %swap3A_418 : vector<1x16xf32> to vector<16xf32>
          %swap3A_420 = vector.shape_cast %add3A_415 : vector<16xf32> to vector<1x16xf32>
          tpu.vector_store %arg9[%swap3A_416, %swap3A_417], %swap3A_420 {strides = array<i32>} : memref<16x1280xf32, #tpu.memory_space<vmem>>, vector<1x16xf32>,
          %mul3A_421 = arith.constant 128 : i32
          %mul3A_422 = arith.muli %scan3A_277, %mul3A_421 : i32
          %add3A_423 = arith.constant 96 : i32
          %add3A_424 = arith.addi %mul3A_422, %add3A_423 : i32
          %get3A_425 = arith.index_cast %scan3A_271 : i32 to index
          %get3A_426 = arith.index_cast %add3A_424 : i32 to index
          %get3A_427 = tpu.vector_load %arg9[%get3A_425, %get3A_426] {strides = array<i32>} : memref<16x1280xf32, #tpu.memory_space<vmem>>, vector<1x16xf32>,
          %get3A_428 = vector.shape_cast %get3A_427 : vector<1x16xf32> to vector<16xf32>
          %get3A_429 = arith.index_cast %scan3A_271 : i32 to index
          %get3A_430 = arith.index_cast %add3A_424 : i32 to index
          %get3A_431 = tpu.vector_load %arg13[%get3A_429, %get3A_430] {strides = array<i32>} : memref<16x1280xf32, #tpu.memory_space<vmem>>, vector<1x16xf32>,
          %get3A_432 = vector.shape_cast %get3A_431 : vector<1x16xf32> to vector<16xf32>
          %add3A_433 = arith.addf %get3A_428, %get3A_432 : vector<16xf32>
          %get3A_434 = arith.index_cast %scan3A_271 : i32 to index
          %get3A_435 = arith.index_cast %add3A_424 : i32 to index
          %get3A_436 = tpu.vector_load %arg11[%get3A_434, %get3A_435] {strides = array<i32>} : memref<16x1280xf32, #tpu.memory_space<vmem>>, vector<1x16xf32>,
          %get3A_437 = vector.shape_cast %get3A_436 : vector<1x16xf32> to vector<16xf32>
          %mul3A_438 = arith.mulf %get3A_162, %get3A_437 : vector<16xf32>
          %add3A_439 = arith.addf %add3A_433, %mul3A_438 : vector<16xf32>
          %swap3A_440 = arith.index_cast %scan3A_271 : i32 to index
          %swap3A_441 = arith.index_cast %add3A_424 : i32 to index
          %swap3A_442 = tpu.vector_load %arg9[%swap3A_440, %swap3A_441] {strides = array<i32>} : memref<16x1280xf32, #tpu.memory_space<vmem>>, vector<1x16xf32>,
          %swap3A_443 = vector.shape_cast %swap3A_442 : vector<1x16xf32> to vector<16xf32>
          %swap3A_444 = vector.shape_cast %add3A_439 : vector<16xf32> to vector<1x16xf32>
          tpu.vector_store %arg9[%swap3A_440, %swap3A_441], %swap3A_444 {strides = array<i32>} : memref<16x1280xf32, #tpu.memory_space<vmem>>, vector<1x16xf32>,
          %mul3A_445 = arith.constant 128 : i32
          %mul3A_446 = arith.muli %scan3A_277, %mul3A_445 : i32
          %add3A_447 = arith.constant 112 : i32
          %add3A_448 = arith.addi %mul3A_446, %add3A_447 : i32
          %get3A_449 = arith.index_cast %scan3A_271 : i32 to index
          %get3A_450 = arith.index_cast %add3A_448 : i32 to index
          %get3A_451 = tpu.vector_load %arg9[%get3A_449, %get3A_450] {strides = array<i32>} : memref<16x1280xf32, #tpu.memory_space<vmem>>, vector<1x16xf32>,
          %get3A_452 = vector.shape_cast %get3A_451 : vector<1x16xf32> to vector<16xf32>
          %get3A_453 = arith.index_cast %scan3A_271 : i32 to index
          %get3A_454 = arith.index_cast %add3A_448 : i32 to index
          %get3A_455 = tpu.vector_load %arg13[%get3A_453, %get3A_454] {strides = array<i32>} : memref<16x1280xf32, #tpu.memory_space<vmem>>, vector<1x16xf32>,
          %get3A_456 = vector.shape_cast %get3A_455 : vector<1x16xf32> to vector<16xf32>
          %add3A_457 = arith.addf %get3A_452, %get3A_456 : vector<16xf32>
          %get3A_458 = arith.index_cast %scan3A_271 : i32 to index
          %get3A_459 = arith.index_cast %add3A_448 : i32 to index
          %get3A_460 = tpu.vector_load %arg11[%get3A_458, %get3A_459] {strides = array<i32>} : memref<16x1280xf32, #tpu.memory_space<vmem>>, vector<1x16xf32>,
          %get3A_461 = vector.shape_cast %get3A_460 : vector<1x16xf32> to vector<16xf32>
          %mul3A_462 = arith.mulf %get3A_162, %get3A_461 : vector<16xf32>
          %add3A_463 = arith.addf %add3A_457, %mul3A_462 : vector<16xf32>
          %swap3A_464 = arith.index_cast %scan3A_271 : i32 to index
          %swap3A_465 = arith.index_cast %add3A_448 : i32 to index
          %swap3A_466 = tpu.vector_load %arg9[%swap3A_464, %swap3A_465] {strides = array<i32>} : memref<16x1280xf32, #tpu.memory_space<vmem>>, vector<1x16xf32>,
          %swap3A_467 = vector.shape_cast %swap3A_466 : vector<1x16xf32> to vector<16xf32>
          %swap3A_468 = vector.shape_cast %add3A_463 : vector<16xf32> to vector<1x16xf32>
          tpu.vector_store %arg9[%swap3A_464, %swap3A_465], %swap3A_468 {strides = array<i32>} : memref<16x1280xf32, #tpu.memory_space<vmem>>, vector<1x16xf32>,
        }
        %scan3A_276 = arith.constant 10 : i32
      }
      %scan3A_168 = arith.constant 16 : i32
      %rem3A_169 = arith.constant 32 : i32
      %rem3A_170 = arith.remsi %add3A_73, %rem3A_169 : i32
      %jit3A_171 = arith.constant 32 : i32
      %div3A_172 = arith.divsi %add3A_73, %jit3A_171 : i32
      %sign3A_173 = arith.constant 0 : i32
      %sign3A_174 = arith.cmpi sgt, %add3A_73, %sign3A_173 : i32
      %sign3A_175 = arith.extui %sign3A_174 : i1 to i32
      %sign3A_176 = arith.constant 0 : i32
      %sign3A_177 = arith.cmpi slt, %add3A_73, %sign3A_176 : i32
      %sign3A_178 = arith.extui %sign3A_177 : i1 to i32
      %sign3A_179 = arith.subi %sign3A_175, %sign3A_178 : i32
      %sign3A_180 = arith.constant 0 : i32
      %sign3A_181 = arith.cmpi sgt, %jit3A_171, %sign3A_180 : i32
      %sign3A_182 = arith.extui %sign3A_181 : i1 to i32
      %sign3A_183 = arith.constant 0 : i32
      %sign3A_184 = arith.cmpi slt, %jit3A_171, %sign3A_183 : i32
      %sign3A_185 = arith.extui %sign3A_184 : i1 to i32
      %sign3A_186 = arith.subi %sign3A_182, %sign3A_185 : i32
      %ne3A_187 = arith.cmpi ne, %sign3A_179, %sign3A_186 : i32
      %rem3A_188 = arith.remsi %add3A_73, %jit3A_171 : i32
      %ne3A_189 = arith.constant 0 : i32
      %ne3A_190 = arith.cmpi ne, %rem3A_188, %ne3A_189 : i32
      %and3A_191 = arith.andi %ne3A_187, %ne3A_190 : i1
      %sub3A_192 = arith.constant 1 : i32
      %sub3A_193 = arith.subi %div3A_172, %sub3A_192 : i32
      %select_n3A_194 = arith.select %and3A_191, %sub3A_193, %div3A_172 : i32
      %mul3A_195 = arith.constant 16 : i32
      %mul3A_196 = arith.muli %select_n3A_194, %mul3A_195 : i32
      %dma_start3A_197 = arith.constant 0 : i32
      %dma_start3A_198 = tpu.memref_slice %arg8[%rem3A_170, %mul3A_196, %dma_start3A_197] : memref<32x385x1280xf32, #tpu.memory_space<hbm>> -> memref<1x16x1280xf32, #tpu.memory_space<hbm>>
      %dma_start3A_199 = tpu.memref_squeeze %dma_start3A_198 : memref<1x16x1280xf32, #tpu.memory_space<hbm>> -> memref<16x1280xf32, #tpu.memory_space<hbm>>
      %dma_start3A_200 = arith.constant 0 : i32
      %dma_start3A_201 = tpu.memref_slice %arg8[%rem3A_170, %mul3A_196, %dma_start3A_200] : memref<32x385x1280xf32, #tpu.memory_space<hbm>> -> memref<1x16x1280xf32, #tpu.memory_space<hbm>>
      %dma_start3A_202 = tpu.memref_squeeze %dma_start3A_201 : memref<1x16x1280xf32, #tpu.memory_space<hbm>> -> memref<16x1280xf32, #tpu.memory_space<hbm>>
      tpu.enqueue_dma source(%arg9 : memref<16x1280xf32, #tpu.memory_space<vmem>>) target(%dma_start3A_202 : memref<16x1280xf32, #tpu.memory_space<hbm>>) target_semaphore(%arg21 : memref<!tpu.dma_semaphore, #tpu.memory_space<semaphore_mem>>)
      %le3A = arith.constant 10 : i32
      %le3A_203 = arith.cmpi sle, %scan3A_70, %le3A : i32
      %convert_element_type3A_204 = arith.extui %le3A_203 : i1 to i32
      %cond3A_205 = arith.constant 0 : i32
      %cond3A_206 = arith.cmpi ne, %convert_element_type3A_204, %cond3A_205 : i32
      scf.if %cond3A_206 {
        %dma_wait3A_271 = arith.constant 0 : i32
        %dma_wait3A_272 = arith.constant 0 : i32
        %dma_wait3A_273 = arith.constant 0 : i32
        %dma_wait3A_274 = tpu.memref_slice %arg8[%dma_wait3A_271, %dma_wait3A_272, %dma_wait3A_273] : memref<32x385x1280xf32, #tpu.memory_space<hbm>> -> memref<1x16x1280xf32, #tpu.memory_space<hbm>>
        %dma_wait3A_275 = tpu.memref_squeeze %dma_wait3A_274 : memref<1x16x1280xf32, #tpu.memory_space<hbm>> -> memref<16x1280xf32, #tpu.memory_space<hbm>>
        %dma_wait3A_276 = arith.constant 0 : i32
        %dma_wait3A_277 = arith.constant 0 : i32
        %dma_wait3A_278 = tpu.memref_slice %arg8[%dma_wait3A_271, %dma_wait3A_276, %dma_wait3A_277] : memref<32x385x1280xf32, #tpu.memory_space<hbm>> -> memref<1x16x1280xf32, #tpu.memory_space<hbm>>
        %dma_wait3A_279 = tpu.memref_squeeze %dma_wait3A_278 : memref<1x16x1280xf32, #tpu.memory_space<hbm>> -> memref<16x1280xf32, #tpu.memory_space<hbm>>
        tpu.wait_dma2 semaphore(%arg21 : memref<!tpu.dma_semaphore, #tpu.memory_space<semaphore_mem>>) src(%arg9 : memref<16x1280xf32, #tpu.memory_space<vmem>>) dst(%dma_wait3A_279 : memref<16x1280xf32, #tpu.memory_space<hbm>>)
        %add3A_280 = arith.constant 2 : i32
        %add3A_281 = arith.addi %add3A_73, %add3A_280 : i32
        %rem3A_282 = arith.constant 32 : i32
        %rem3A_283 = arith.remsi %add3A_281, %rem3A_282 : i32
        %jit3A_284 = arith.constant 32 : i32
        %div3A_285 = arith.divsi %add3A_281, %jit3A_284 : i32
        %sign3A_286 = arith.constant 0 : i32
        %sign3A_287 = arith.cmpi sgt, %add3A_281, %sign3A_286 : i32
        %sign3A_288 = arith.extui %sign3A_287 : i1 to i32
        %sign3A_289 = arith.constant 0 : i32
        %sign3A_290 = arith.cmpi slt, %add3A_281, %sign3A_289 : i32
        %sign3A_291 = arith.extui %sign3A_290 : i1 to i32
        %sign3A_292 = arith.subi %sign3A_288, %sign3A_291 : i32
        %sign3A_293 = arith.constant 0 : i32
        %sign3A_294 = arith.cmpi sgt, %jit3A_284, %sign3A_293 : i32
        %sign3A_295 = arith.extui %sign3A_294 : i1 to i32
        %sign3A_296 = arith.constant 0 : i32
        %sign3A_297 = arith.cmpi slt, %jit3A_284, %sign3A_296 : i32
        %sign3A_298 = arith.extui %sign3A_297 : i1 to i32
        %sign3A_299 = arith.subi %sign3A_295, %sign3A_298 : i32
        %ne3A_300 = arith.cmpi ne, %sign3A_292, %sign3A_299 : i32
        %rem3A_301 = arith.remsi %add3A_281, %jit3A_284 : i32
        %ne3A_302 = arith.constant 0 : i32
        %ne3A_303 = arith.cmpi ne, %rem3A_301, %ne3A_302 : i32
        %and3A_304 = arith.andi %ne3A_300, %ne3A_303 : i1
        %sub3A_305 = arith.constant 1 : i32
        %sub3A_306 = arith.subi %div3A_285, %sub3A_305 : i32
        %select_n3A_307 = arith.select %and3A_304, %sub3A_306, %div3A_285 : i32
        %mul3A_308 = arith.constant 16 : i32
        %mul3A_309 = arith.muli %select_n3A_307, %mul3A_308 : i32
        %get3A_310 = arith.index_cast %rem3A_283 : i32 to index
        %get3A_311 = arith.constant 0 : index
        %get3A_312 = tpu.vector_load %arg14[%get3A_310, %get3A_311] {strides = array<i32>} : memref<32x128xi32, #tpu.memory_space<vmem>>, vector<1x16xi32>,
        %get3A_313 = vector.shape_cast %get3A_312 : vector<1x16xi32> to vector<16xi32>
        %slice3A_314 = vector.extract_strided_slice %get3A_313 {offsets = [0], sizes = [1], strides = [1]} : vector<16xi32> to vector<1xi32>
        %squeeze3A_315 = vector.extract %slice3A_314[0] : i32 from vector<1xi32>
        %add3A_316 = arith.constant 1216 : i32
        %add3A_317 = arith.addi %add3A_316, %mul3A_309 : i32
        %dma_start3A_318 = arith.constant 0 : i32
        %dma_start3A_319 = tpu.memref_slice %arg3[%squeeze3A_315, %add3A_317, %dma_start3A_318] : memref<16x1601x1280xf32, #tpu.memory_space<hbm>> -> memref<1x16x1280xf32, #tpu.memory_space<hbm>>
        %dma_start3A_320 = tpu.memref_squeeze %dma_start3A_319 : memref<1x16x1280xf32, #tpu.memory_space<hbm>> -> memref<16x1280xf32, #tpu.memory_space<hbm>>
        %dma_start3A_321 = arith.constant 0 : i32
        %dma_start3A_322 = tpu.memref_slice %arg3[%squeeze3A_315, %add3A_317, %dma_start3A_321] : memref<16x1601x1280xf32, #tpu.memory_space<hbm>> -> memref<1x16x1280xf32, #tpu.memory_space<hbm>>
        %dma_start3A_323 = tpu.memref_squeeze %dma_start3A_322 : memref<1x16x1280xf32, #tpu.memory_space<hbm>> -> memref<16x1280xf32, #tpu.memory_space<hbm>>
        tpu.enqueue_dma source(%dma_start3A_323 : memref<16x1280xf32, #tpu.memory_space<hbm>>) target(%arg11 : memref<16x1280xf32, #tpu.memory_space<vmem>>) target_semaphore(%arg19 : memref<!tpu.dma_semaphore, #tpu.memory_space<semaphore_mem>>)
        %add3A_324 = arith.constant 1216 : i32
        %add3A_325 = arith.addi %add3A_324, %mul3A_309 : i32
        %dma_start3A_326 = arith.constant 0 : i32
        %dma_start3A_327 = tpu.memref_slice %arg2[%rem3A_283, %add3A_325, %dma_start3A_326] : memref<32x1601x1280xf32, #tpu.memory_space<hbm>> -> memref<1x16x1280xf32, #tpu.memory_space<hbm>>
        %dma_start3A_328 = tpu.memref_squeeze %dma_start3A_327 : memref<1x16x1280xf32, #tpu.memory_space<hbm>> -> memref<16x1280xf32, #tpu.memory_space<hbm>>
        %dma_start3A_329 = arith.constant 0 : i32
        %dma_start3A_330 = tpu.memref_slice %arg2[%rem3A_283, %add3A_325, %dma_start3A_329] : memref<32x1601x1280xf32, #tpu.memory_space<hbm>> -> memref<1x16x1280xf32, #tpu.memory_space<hbm>>
        %dma_start3A_331 = tpu.memref_squeeze %dma_start3A_330 : memref<1x16x1280xf32, #tpu.memory_space<hbm>> -> memref<16x1280xf32, #tpu.memory_space<hbm>>
        tpu.enqueue_dma source(%dma_start3A_331 : memref<16x1280xf32, #tpu.memory_space<hbm>>) target(%arg9 : memref<16x1280xf32, #tpu.memory_space<vmem>>) target_semaphore(%arg17 : memref<!tpu.dma_semaphore, #tpu.memory_space<semaphore_mem>>)
      } else {
      }
      %dma_wait3A_207 = arith.constant 0 : i32
      %dma_wait3A_208 = arith.constant 0 : i32
      %dma_wait3A_209 = arith.constant 0 : i32
      %dma_wait3A_210 = tpu.memref_slice %arg2[%dma_wait3A_207, %dma_wait3A_208, %dma_wait3A_209] : memref<32x1601x1280xf32, #tpu.memory_space<hbm>> -> memref<1x16x1280xf32, #tpu.memory_space<hbm>>
      %dma_wait3A_211 = tpu.memref_squeeze %dma_wait3A_210 : memref<1x16x1280xf32, #tpu.memory_space<hbm>> -> memref<16x1280xf32, #tpu.memory_space<hbm>>
      %dma_wait3A_212 = arith.constant 0 : i32
      %dma_wait3A_213 = arith.constant 0 : i32
      %dma_wait3A_214 = tpu.memref_slice %arg2[%dma_wait3A_207, %dma_wait3A_212, %dma_wait3A_213] : memref<32x1601x1280xf32, #tpu.memory_space<hbm>> -> memref<1x16x1280xf32, #tpu.memory_space<hbm>>
      %dma_wait3A_215 = tpu.memref_squeeze %dma_wait3A_214 : memref<1x16x1280xf32, #tpu.memory_space<hbm>> -> memref<16x1280xf32, #tpu.memory_space<hbm>>
      tpu.wait_dma2 semaphore(%arg18 : memref<!tpu.dma_semaphore, #tpu.memory_space<semaphore_mem>>) src(%dma_wait3A_215 : memref<16x1280xf32, #tpu.memory_space<hbm>>) dst(%arg10 : memref<16x1280xf32, #tpu.memory_space<vmem>>)
      %dma_wait3A_216 = arith.constant 0 : i32
      %dma_wait3A_217 = arith.constant 0 : i32
      %dma_wait3A_218 = arith.constant 0 : i32
      %dma_wait3A_219 = tpu.memref_slice %arg2[%dma_wait3A_216, %dma_wait3A_217, %dma_wait3A_218] : memref<32x1601x1280xf32, #tpu.memory_space<hbm>> -> memref<1x16x1280xf32, #tpu.memory_space<hbm>>
      %dma_wait3A_220 = tpu.memref_squeeze %dma_wait3A_219 : memref<1x16x1280xf32, #tpu.memory_space<hbm>> -> memref<16x1280xf32, #tpu.memory_space<hbm>>
      %dma_wait3A_221 = arith.constant 0 : i32
      %dma_wait3A_222 = arith.constant 0 : i32
      %dma_wait3A_223 = tpu.memref_slice %arg2[%dma_wait3A_216, %dma_wait3A_221, %dma_wait3A_222] : memref<32x1601x1280xf32, #tpu.memory_space<hbm>> -> memref<1x16x1280xf32, #tpu.memory_space<hbm>>
      %dma_wait3A_224 = tpu.memref_squeeze %dma_wait3A_223 : memref<1x16x1280xf32, #tpu.memory_space<hbm>> -> memref<16x1280xf32, #tpu.memory_space<hbm>>
      tpu.wait_dma2 semaphore(%arg20 : memref<!tpu.dma_semaphore, #tpu.memory_space<semaphore_mem>>) src(%dma_wait3A_224 : memref<16x1280xf32, #tpu.memory_space<hbm>>) dst(%arg12 : memref<16x1280xf32, #tpu.memory_space<vmem>>)
      %rem3A_225 = arith.constant 32 : i32
      %rem3A_226 = arith.remsi %add3A_75, %rem3A_225 : i32
      %get3A_227 = arith.index_cast %rem3A_226 : i32 to index
      %get3A_228 = arith.constant 0 : index
      %get3A_229 = tpu.vector_load %arg15[%get3A_227, %get3A_228] {strides = array<i32>} : memref<32x128xf32, #tpu.memory_space<vmem>>, vector<1x16xf32>,
      %get3A_230 = vector.shape_cast %get3A_229 : vector<1x16xf32> to vector<16xf32>
      %scan3A_231 = arith.constant 0 : i32
      %scan3A_232 = arith.constant 0 : i32
      %scan3A_233 = arith.constant 16 : i32
      %scan3A_234 = arith.addi %scan3A_232, %scan3A_233 : i32
      %scan3A_235 = arith.constant 1 : i32
      scf.for %scan3A_271 = %scan3A_232 to %scan3A_234 step %scan3A_235  : i32 {
        %scan3A_272 = arith.constant 0 : i32
        %scan3A_273 = arith.constant 10 : i32
        %scan3A_274 = arith.addi %scan3A_272, %scan3A_273 : i32
        %scan3A_275 = arith.constant 1 : i32
        scf.for %scan3A_277 = %scan3A_272 to %scan3A_274 step %scan3A_275  : i32 {
          %mul3A_278 = arith.constant 128 : i32
          %mul3A_279 = arith.muli %scan3A_277, %mul3A_278 : i32
          %add3A_280 = arith.constant 0 : i32
          %add3A_281 = arith.addi %mul3A_279, %add3A_280 : i32
          %get3A_282 = arith.index_cast %scan3A_271 : i32 to index
          %get3A_283 = arith.index_cast %add3A_281 : i32 to index
          %get3A_284 = tpu.vector_load %arg10[%get3A_282, %get3A_283] {strides = array<i32>} : memref<16x1280xf32, #tpu.memory_space<vmem>>, vector<1x16xf32>,
          %get3A_285 = vector.shape_cast %get3A_284 : vector<1x16xf32> to vector<16xf32>
          %get3A_286 = arith.index_cast %scan3A_271 : i32 to index
          %get3A_287 = arith.index_cast %add3A_281 : i32 to index
          %get3A_288 = tpu.vector_load %arg13[%get3A_286, %get3A_287] {strides = array<i32>} : memref<16x1280xf32, #tpu.memory_space<vmem>>, vector<1x16xf32>,
          %get3A_289 = vector.shape_cast %get3A_288 : vector<1x16xf32> to vector<16xf32>
          %add3A_290 = arith.addf %get3A_285, %get3A_289 : vector<16xf32>
          %get3A_291 = arith.index_cast %scan3A_271 : i32 to index
          %get3A_292 = arith.index_cast %add3A_281 : i32 to index
          %get3A_293 = tpu.vector_load %arg12[%get3A_291, %get3A_292] {strides = array<i32>} : memref<16x1280xf32, #tpu.memory_space<vmem>>, vector<1x16xf32>,
          %get3A_294 = vector.shape_cast %get3A_293 : vector<1x16xf32> to vector<16xf32>
          %mul3A_295 = arith.mulf %get3A_230, %get3A_294 : vector<16xf32>
          %add3A_296 = arith.addf %add3A_290, %mul3A_295 : vector<16xf32>
          %swap3A = arith.index_cast %scan3A_271 : i32 to index
          %swap3A_297 = arith.index_cast %add3A_281 : i32 to index
          %swap3A_298 = tpu.vector_load %arg10[%swap3A, %swap3A_297] {strides = array<i32>} : memref<16x1280xf32, #tpu.memory_space<vmem>>, vector<1x16xf32>,
          %swap3A_299 = vector.shape_cast %swap3A_298 : vector<1x16xf32> to vector<16xf32>
          %swap3A_300 = vector.shape_cast %add3A_296 : vector<16xf32> to vector<1x16xf32>
          tpu.vector_store %arg10[%swap3A, %swap3A_297], %swap3A_300 {strides = array<i32>} : memref<16x1280xf32, #tpu.memory_space<vmem>>, vector<1x16xf32>,
          %mul3A_301 = arith.constant 128 : i32
          %mul3A_302 = arith.muli %scan3A_277, %mul3A_301 : i32
          %add3A_303 = arith.constant 16 : i32
          %add3A_304 = arith.addi %mul3A_302, %add3A_303 : i32
          %get3A_305 = arith.index_cast %scan3A_271 : i32 to index
          %get3A_306 = arith.index_cast %add3A_304 : i32 to index
          %get3A_307 = tpu.vector_load %arg10[%get3A_305, %get3A_306] {strides = array<i32>} : memref<16x1280xf32, #tpu.memory_space<vmem>>, vector<1x16xf32>,
          %get3A_308 = vector.shape_cast %get3A_307 : vector<1x16xf32> to vector<16xf32>
          %get3A_309 = arith.index_cast %scan3A_271 : i32 to index
          %get3A_310 = arith.index_cast %add3A_304 : i32 to index
          %get3A_311 = tpu.vector_load %arg13[%get3A_309, %get3A_310] {strides = array<i32>} : memref<16x1280xf32, #tpu.memory_space<vmem>>, vector<1x16xf32>,
          %get3A_312 = vector.shape_cast %get3A_311 : vector<1x16xf32> to vector<16xf32>
          %add3A_313 = arith.addf %get3A_308, %get3A_312 : vector<16xf32>
          %get3A_314 = arith.index_cast %scan3A_271 : i32 to index
          %get3A_315 = arith.index_cast %add3A_304 : i32 to index
          %get3A_316 = tpu.vector_load %arg12[%get3A_314, %get3A_315] {strides = array<i32>} : memref<16x1280xf32, #tpu.memory_space<vmem>>, vector<1x16xf32>,
          %get3A_317 = vector.shape_cast %get3A_316 : vector<1x16xf32> to vector<16xf32>
          %mul3A_318 = arith.mulf %get3A_230, %get3A_317 : vector<16xf32>
          %add3A_319 = arith.addf %add3A_313, %mul3A_318 : vector<16xf32>
          %swap3A_320 = arith.index_cast %scan3A_271 : i32 to index
          %swap3A_321 = arith.index_cast %add3A_304 : i32 to index
          %swap3A_322 = tpu.vector_load %arg10[%swap3A_320, %swap3A_321] {strides = array<i32>} : memref<16x1280xf32, #tpu.memory_space<vmem>>, vector<1x16xf32>,
          %swap3A_323 = vector.shape_cast %swap3A_322 : vector<1x16xf32> to vector<16xf32>
          %swap3A_324 = vector.shape_cast %add3A_319 : vector<16xf32> to vector<1x16xf32>
          tpu.vector_store %arg10[%swap3A_320, %swap3A_321], %swap3A_324 {strides = array<i32>} : memref<16x1280xf32, #tpu.memory_space<vmem>>, vector<1x16xf32>,
          %mul3A_325 = arith.constant 128 : i32
          %mul3A_326 = arith.muli %scan3A_277, %mul3A_325 : i32
          %add3A_327 = arith.constant 32 : i32
          %add3A_328 = arith.addi %mul3A_326, %add3A_327 : i32
          %get3A_329 = arith.index_cast %scan3A_271 : i32 to index
          %get3A_330 = arith.index_cast %add3A_328 : i32 to index
          %get3A_331 = tpu.vector_load %arg10[%get3A_329, %get3A_330] {strides = array<i32>} : memref<16x1280xf32, #tpu.memory_space<vmem>>, vector<1x16xf32>,
          %get3A_332 = vector.shape_cast %get3A_331 : vector<1x16xf32> to vector<16xf32>
          %get3A_333 = arith.index_cast %scan3A_271 : i32 to index
          %get3A_334 = arith.index_cast %add3A_328 : i32 to index
          %get3A_335 = tpu.vector_load %arg13[%get3A_333, %get3A_334] {strides = array<i32>} : memref<16x1280xf32, #tpu.memory_space<vmem>>, vector<1x16xf32>,
          %get3A_336 = vector.shape_cast %get3A_335 : vector<1x16xf32> to vector<16xf32>
          %add3A_337 = arith.addf %get3A_332, %get3A_336 : vector<16xf32>
          %get3A_338 = arith.index_cast %scan3A_271 : i32 to index
          %get3A_339 = arith.index_cast %add3A_328 : i32 to index
          %get3A_340 = tpu.vector_load %arg12[%get3A_338, %get3A_339] {strides = array<i32>} : memref<16x1280xf32, #tpu.memory_space<vmem>>, vector<1x16xf32>,
          %get3A_341 = vector.shape_cast %get3A_340 : vector<1x16xf32> to vector<16xf32>
          %mul3A_342 = arith.mulf %get3A_230, %get3A_341 : vector<16xf32>
          %add3A_343 = arith.addf %add3A_337, %mul3A_342 : vector<16xf32>
          %swap3A_344 = arith.index_cast %scan3A_271 : i32 to index
          %swap3A_345 = arith.index_cast %add3A_328 : i32 to index
          %swap3A_346 = tpu.vector_load %arg10[%swap3A_344, %swap3A_345] {strides = array<i32>} : memref<16x1280xf32, #tpu.memory_space<vmem>>, vector<1x16xf32>,
          %swap3A_347 = vector.shape_cast %swap3A_346 : vector<1x16xf32> to vector<16xf32>
          %swap3A_348 = vector.shape_cast %add3A_343 : vector<16xf32> to vector<1x16xf32>
          tpu.vector_store %arg10[%swap3A_344, %swap3A_345], %swap3A_348 {strides = array<i32>} : memref<16x1280xf32, #tpu.memory_space<vmem>>, vector<1x16xf32>,
          %mul3A_349 = arith.constant 128 : i32
          %mul3A_350 = arith.muli %scan3A_277, %mul3A_349 : i32
          %add3A_351 = arith.constant 48 : i32
          %add3A_352 = arith.addi %mul3A_350, %add3A_351 : i32
          %get3A_353 = arith.index_cast %scan3A_271 : i32 to index
          %get3A_354 = arith.index_cast %add3A_352 : i32 to index
          %get3A_355 = tpu.vector_load %arg10[%get3A_353, %get3A_354] {strides = array<i32>} : memref<16x1280xf32, #tpu.memory_space<vmem>>, vector<1x16xf32>,
          %get3A_356 = vector.shape_cast %get3A_355 : vector<1x16xf32> to vector<16xf32>
          %get3A_357 = arith.index_cast %scan3A_271 : i32 to index
          %get3A_358 = arith.index_cast %add3A_352 : i32 to index
          %get3A_359 = tpu.vector_load %arg13[%get3A_357, %get3A_358] {strides = array<i32>} : memref<16x1280xf32, #tpu.memory_space<vmem>>, vector<1x16xf32>,
          %get3A_360 = vector.shape_cast %get3A_359 : vector<1x16xf32> to vector<16xf32>
          %add3A_361 = arith.addf %get3A_356, %get3A_360 : vector<16xf32>
          %get3A_362 = arith.index_cast %scan3A_271 : i32 to index
          %get3A_363 = arith.index_cast %add3A_352 : i32 to index
          %get3A_364 = tpu.vector_load %arg12[%get3A_362, %get3A_363] {strides = array<i32>} : memref<16x1280xf32, #tpu.memory_space<vmem>>, vector<1x16xf32>,
          %get3A_365 = vector.shape_cast %get3A_364 : vector<1x16xf32> to vector<16xf32>
          %mul3A_366 = arith.mulf %get3A_230, %get3A_365 : vector<16xf32>
          %add3A_367 = arith.addf %add3A_361, %mul3A_366 : vector<16xf32>
          %swap3A_368 = arith.index_cast %scan3A_271 : i32 to index
          %swap3A_369 = arith.index_cast %add3A_352 : i32 to index
          %swap3A_370 = tpu.vector_load %arg10[%swap3A_368, %swap3A_369] {strides = array<i32>} : memref<16x1280xf32, #tpu.memory_space<vmem>>, vector<1x16xf32>,
          %swap3A_371 = vector.shape_cast %swap3A_370 : vector<1x16xf32> to vector<16xf32>
          %swap3A_372 = vector.shape_cast %add3A_367 : vector<16xf32> to vector<1x16xf32>
          tpu.vector_store %arg10[%swap3A_368, %swap3A_369], %swap3A_372 {strides = array<i32>} : memref<16x1280xf32, #tpu.memory_space<vmem>>, vector<1x16xf32>,
          %mul3A_373 = arith.constant 128 : i32
          %mul3A_374 = arith.muli %scan3A_277, %mul3A_373 : i32
          %add3A_375 = arith.constant 64 : i32
          %add3A_376 = arith.addi %mul3A_374, %add3A_375 : i32
          %get3A_377 = arith.index_cast %scan3A_271 : i32 to index
          %get3A_378 = arith.index_cast %add3A_376 : i32 to index
          %get3A_379 = tpu.vector_load %arg10[%get3A_377, %get3A_378] {strides = array<i32>} : memref<16x1280xf32, #tpu.memory_space<vmem>>, vector<1x16xf32>,
          %get3A_380 = vector.shape_cast %get3A_379 : vector<1x16xf32> to vector<16xf32>
          %get3A_381 = arith.index_cast %scan3A_271 : i32 to index
          %get3A_382 = arith.index_cast %add3A_376 : i32 to index
          %get3A_383 = tpu.vector_load %arg13[%get3A_381, %get3A_382] {strides = array<i32>} : memref<16x1280xf32, #tpu.memory_space<vmem>>, vector<1x16xf32>,
          %get3A_384 = vector.shape_cast %get3A_383 : vector<1x16xf32> to vector<16xf32>
          %add3A_385 = arith.addf %get3A_380, %get3A_384 : vector<16xf32>
          %get3A_386 = arith.index_cast %scan3A_271 : i32 to index
          %get3A_387 = arith.index_cast %add3A_376 : i32 to index
          %get3A_388 = tpu.vector_load %arg12[%get3A_386, %get3A_387] {strides = array<i32>} : memref<16x1280xf32, #tpu.memory_space<vmem>>, vector<1x16xf32>,
          %get3A_389 = vector.shape_cast %get3A_388 : vector<1x16xf32> to vector<16xf32>
          %mul3A_390 = arith.mulf %get3A_230, %get3A_389 : vector<16xf32>
          %add3A_391 = arith.addf %add3A_385, %mul3A_390 : vector<16xf32>
          %swap3A_392 = arith.index_cast %scan3A_271 : i32 to index
          %swap3A_393 = arith.index_cast %add3A_376 : i32 to index
          %swap3A_394 = tpu.vector_load %arg10[%swap3A_392, %swap3A_393] {strides = array<i32>} : memref<16x1280xf32, #tpu.memory_space<vmem>>, vector<1x16xf32>,
          %swap3A_395 = vector.shape_cast %swap3A_394 : vector<1x16xf32> to vector<16xf32>
          %swap3A_396 = vector.shape_cast %add3A_391 : vector<16xf32> to vector<1x16xf32>
          tpu.vector_store %arg10[%swap3A_392, %swap3A_393], %swap3A_396 {strides = array<i32>} : memref<16x1280xf32, #tpu.memory_space<vmem>>, vector<1x16xf32>,
          %mul3A_397 = arith.constant 128 : i32
          %mul3A_398 = arith.muli %scan3A_277, %mul3A_397 : i32
          %add3A_399 = arith.constant 80 : i32
          %add3A_400 = arith.addi %mul3A_398, %add3A_399 : i32
          %get3A_401 = arith.index_cast %scan3A_271 : i32 to index
          %get3A_402 = arith.index_cast %add3A_400 : i32 to index
          %get3A_403 = tpu.vector_load %arg10[%get3A_401, %get3A_402] {strides = array<i32>} : memref<16x1280xf32, #tpu.memory_space<vmem>>, vector<1x16xf32>,
          %get3A_404 = vector.shape_cast %get3A_403 : vector<1x16xf32> to vector<16xf32>
          %get3A_405 = arith.index_cast %scan3A_271 : i32 to index
          %get3A_406 = arith.index_cast %add3A_400 : i32 to index
          %get3A_407 = tpu.vector_load %arg13[%get3A_405, %get3A_406] {strides = array<i32>} : memref<16x1280xf32, #tpu.memory_space<vmem>>, vector<1x16xf32>,
          %get3A_408 = vector.shape_cast %get3A_407 : vector<1x16xf32> to vector<16xf32>
          %add3A_409 = arith.addf %get3A_404, %get3A_408 : vector<16xf32>
          %get3A_410 = arith.index_cast %scan3A_271 : i32 to index
          %get3A_411 = arith.index_cast %add3A_400 : i32 to index
          %get3A_412 = tpu.vector_load %arg12[%get3A_410, %get3A_411] {strides = array<i32>} : memref<16x1280xf32, #tpu.memory_space<vmem>>, vector<1x16xf32>,
          %get3A_413 = vector.shape_cast %get3A_412 : vector<1x16xf32> to vector<16xf32>
          %mul3A_414 = arith.mulf %get3A_230, %get3A_413 : vector<16xf32>
          %add3A_415 = arith.addf %add3A_409, %mul3A_414 : vector<16xf32>
          %swap3A_416 = arith.index_cast %scan3A_271 : i32 to index
          %swap3A_417 = arith.index_cast %add3A_400 : i32 to index
          %swap3A_418 = tpu.vector_load %arg10[%swap3A_416, %swap3A_417] {strides = array<i32>} : memref<16x1280xf32, #tpu.memory_space<vmem>>, vector<1x16xf32>,
          %swap3A_419 = vector.shape_cast %swap3A_418 : vector<1x16xf32> to vector<16xf32>
          %swap3A_420 = vector.shape_cast %add3A_415 : vector<16xf32> to vector<1x16xf32>
          tpu.vector_store %arg10[%swap3A_416, %swap3A_417], %swap3A_420 {strides = array<i32>} : memref<16x1280xf32, #tpu.memory_space<vmem>>, vector<1x16xf32>,
          %mul3A_421 = arith.constant 128 : i32
          %mul3A_422 = arith.muli %scan3A_277, %mul3A_421 : i32
          %add3A_423 = arith.constant 96 : i32
          %add3A_424 = arith.addi %mul3A_422, %add3A_423 : i32
          %get3A_425 = arith.index_cast %scan3A_271 : i32 to index
          %get3A_426 = arith.index_cast %add3A_424 : i32 to index
          %get3A_427 = tpu.vector_load %arg10[%get3A_425, %get3A_426] {strides = array<i32>} : memref<16x1280xf32, #tpu.memory_space<vmem>>, vector<1x16xf32>,
          %get3A_428 = vector.shape_cast %get3A_427 : vector<1x16xf32> to vector<16xf32>
          %get3A_429 = arith.index_cast %scan3A_271 : i32 to index
          %get3A_430 = arith.index_cast %add3A_424 : i32 to index
          %get3A_431 = tpu.vector_load %arg13[%get3A_429, %get3A_430] {strides = array<i32>} : memref<16x1280xf32, #tpu.memory_space<vmem>>, vector<1x16xf32>,
          %get3A_432 = vector.shape_cast %get3A_431 : vector<1x16xf32> to vector<16xf32>
          %add3A_433 = arith.addf %get3A_428, %get3A_432 : vector<16xf32>
          %get3A_434 = arith.index_cast %scan3A_271 : i32 to index
          %get3A_435 = arith.index_cast %add3A_424 : i32 to index
          %get3A_436 = tpu.vector_load %arg12[%get3A_434, %get3A_435] {strides = array<i32>} : memref<16x1280xf32, #tpu.memory_space<vmem>>, vector<1x16xf32>,
          %get3A_437 = vector.shape_cast %get3A_436 : vector<1x16xf32> to vector<16xf32>
          %mul3A_438 = arith.mulf %get3A_230, %get3A_437 : vector<16xf32>
          %add3A_439 = arith.addf %add3A_433, %mul3A_438 : vector<16xf32>
          %swap3A_440 = arith.index_cast %scan3A_271 : i32 to index
          %swap3A_441 = arith.index_cast %add3A_424 : i32 to index
          %swap3A_442 = tpu.vector_load %arg10[%swap3A_440, %swap3A_441] {strides = array<i32>} : memref<16x1280xf32, #tpu.memory_space<vmem>>, vector<1x16xf32>,
          %swap3A_443 = vector.shape_cast %swap3A_442 : vector<1x16xf32> to vector<16xf32>
          %swap3A_444 = vector.shape_cast %add3A_439 : vector<16xf32> to vector<1x16xf32>
          tpu.vector_store %arg10[%swap3A_440, %swap3A_441], %swap3A_444 {strides = array<i32>} : memref<16x1280xf32, #tpu.memory_space<vmem>>, vector<1x16xf32>,
          %mul3A_445 = arith.constant 128 : i32
          %mul3A_446 = arith.muli %scan3A_277, %mul3A_445 : i32
          %add3A_447 = arith.constant 112 : i32
          %add3A_448 = arith.addi %mul3A_446, %add3A_447 : i32
          %get3A_449 = arith.index_cast %scan3A_271 : i32 to index
          %get3A_450 = arith.index_cast %add3A_448 : i32 to index
          %get3A_451 = tpu.vector_load %arg10[%get3A_449, %get3A_450] {strides = array<i32>} : memref<16x1280xf32, #tpu.memory_space<vmem>>, vector<1x16xf32>,
          %get3A_452 = vector.shape_cast %get3A_451 : vector<1x16xf32> to vector<16xf32>
          %get3A_453 = arith.index_cast %scan3A_271 : i32 to index
          %get3A_454 = arith.index_cast %add3A_448 : i32 to index
          %get3A_455 = tpu.vector_load %arg13[%get3A_453, %get3A_454] {strides = array<i32>} : memref<16x1280xf32, #tpu.memory_space<vmem>>, vector<1x16xf32>,
          %get3A_456 = vector.shape_cast %get3A_455 : vector<1x16xf32> to vector<16xf32>
          %add3A_457 = arith.addf %get3A_452, %get3A_456 : vector<16xf32>
          %get3A_458 = arith.index_cast %scan3A_271 : i32 to index
          %get3A_459 = arith.index_cast %add3A_448 : i32 to index
          %get3A_460 = tpu.vector_load %arg12[%get3A_458, %get3A_459] {strides = array<i32>} : memref<16x1280xf32, #tpu.memory_space<vmem>>, vector<1x16xf32>,
          %get3A_461 = vector.shape_cast %get3A_460 : vector<1x16xf32> to vector<16xf32>
          %mul3A_462 = arith.mulf %get3A_230, %get3A_461 : vector<16xf32>
          %add3A_463 = arith.addf %add3A_457, %mul3A_462 : vector<16xf32>
          %swap3A_464 = arith.index_cast %scan3A_271 : i32 to index
          %swap3A_465 = arith.index_cast %add3A_448 : i32 to index
          %swap3A_466 = tpu.vector_load %arg10[%swap3A_464, %swap3A_465] {strides = array<i32>} : memref<16x1280xf32, #tpu.memory_space<vmem>>, vector<1x16xf32>,
          %swap3A_467 = vector.shape_cast %swap3A_466 : vector<1x16xf32> to vector<16xf32>
          %swap3A_468 = vector.shape_cast %add3A_463 : vector<16xf32> to vector<1x16xf32>
          tpu.vector_store %arg10[%swap3A_464, %swap3A_465], %swap3A_468 {strides = array<i32>} : memref<16x1280xf32, #tpu.memory_space<vmem>>, vector<1x16xf32>,
        }
        %scan3A_276 = arith.constant 10 : i32
      }
      %scan3A_236 = arith.constant 16 : i32
      %rem3A_237 = arith.constant 32 : i32
      %rem3A_238 = arith.remsi %add3A_75, %rem3A_237 : i32
      %jit3A_239 = arith.constant 32 : i32
      %div3A_240 = arith.divsi %add3A_75, %jit3A_239 : i32
      %sign3A_241 = arith.constant 0 : i32
      %sign3A_242 = arith.cmpi sgt, %add3A_75, %sign3A_241 : i32
      %sign3A_243 = arith.extui %sign3A_242 : i1 to i32
      %sign3A_244 = arith.constant 0 : i32
      %sign3A_245 = arith.cmpi slt, %add3A_75, %sign3A_244 : i32
      %sign3A_246 = arith.extui %sign3A_245 : i1 to i32
      %sign3A_247 = arith.subi %sign3A_243, %sign3A_246 : i32
      %sign3A_248 = arith.constant 0 : i32
      %sign3A_249 = arith.cmpi sgt, %jit3A_239, %sign3A_248 : i32
      %sign3A_250 = arith.extui %sign3A_249 : i1 to i32
      %sign3A_251 = arith.constant 0 : i32
      %sign3A_252 = arith.cmpi slt, %jit3A_239, %sign3A_251 : i32
      %sign3A_253 = arith.extui %sign3A_252 : i1 to i32
      %sign3A_254 = arith.subi %sign3A_250, %sign3A_253 : i32
      %ne3A_255 = arith.cmpi ne, %sign3A_247, %sign3A_254 : i32
      %rem3A_256 = arith.remsi %add3A_75, %jit3A_239 : i32
      %ne3A_257 = arith.constant 0 : i32
      %ne3A_258 = arith.cmpi ne, %rem3A_256, %ne3A_257 : i32
      %and3A_259 = arith.andi %ne3A_255, %ne3A_258 : i1
      %sub3A_260 = arith.constant 1 : i32
      %sub3A_261 = arith.subi %div3A_240, %sub3A_260 : i32
      %select_n3A_262 = arith.select %and3A_259, %sub3A_261, %div3A_240 : i32
      %mul3A_263 = arith.constant 16 : i32
      %mul3A_264 = arith.muli %select_n3A_262, %mul3A_263 : i32
      %dma_start3A_265 = arith.constant 0 : i32
      %dma_start3A_266 = tpu.memref_slice %arg8[%rem3A_238, %mul3A_264, %dma_start3A_265] : memref<32x385x1280xf32, #tpu.memory_space<hbm>> -> memref<1x16x1280xf32, #tpu.memory_space<hbm>>
      %dma_start3A_267 = tpu.memref_squeeze %dma_start3A_266 : memref<1x16x1280xf32, #tpu.memory_space<hbm>> -> memref<16x1280xf32, #tpu.memory_space<hbm>>
      %dma_start3A_268 = arith.constant 0 : i32
      %dma_start3A_269 = tpu.memref_slice %arg8[%rem3A_238, %mul3A_264, %dma_start3A_268] : memref<32x385x1280xf32, #tpu.memory_space<hbm>> -> memref<1x16x1280xf32, #tpu.memory_space<hbm>>
      %dma_start3A_270 = tpu.memref_squeeze %dma_start3A_269 : memref<1x16x1280xf32, #tpu.memory_space<hbm>> -> memref<16x1280xf32, #tpu.memory_space<hbm>>
      tpu.enqueue_dma source(%arg10 : memref<16x1280xf32, #tpu.memory_space<vmem>>) target(%dma_start3A_270 : memref<16x1280xf32, #tpu.memory_space<hbm>>) target_semaphore(%arg22 : memref<!tpu.dma_semaphore, #tpu.memory_space<semaphore_mem>>)
    }
    %scan3A_50 = arith.constant 12 : i32
    %dma_wait3A = arith.constant 0 : i32
    %dma_wait3A_51 = arith.constant 0 : i32
    %dma_wait3A_52 = arith.constant 0 : i32
    %dma_wait3A_53 = tpu.memref_slice %arg8[%dma_wait3A, %dma_wait3A_51, %dma_wait3A_52] : memref<32x385x1280xf32, #tpu.memory_space<hbm>> -> memref<1x16x1280xf32, #tpu.memory_space<hbm>>
    %dma_wait3A_54 = tpu.memref_squeeze %dma_wait3A_53 : memref<1x16x1280xf32, #tpu.memory_space<hbm>> -> memref<16x1280xf32, #tpu.memory_space<hbm>>
    %dma_wait3A_55 = arith.constant 0 : i32
    %dma_wait3A_56 = arith.constant 0 : i32
    %dma_wait3A_57 = tpu.memref_slice %arg8[%dma_wait3A, %dma_wait3A_55, %dma_wait3A_56] : memref<32x385x1280xf32, #tpu.memory_space<hbm>> -> memref<1x16x1280xf32, #tpu.memory_space<hbm>>
    %dma_wait3A_58 = tpu.memref_squeeze %dma_wait3A_57 : memref<1x16x1280xf32, #tpu.memory_space<hbm>> -> memref<16x1280xf32, #tpu.memory_space<hbm>>
    tpu.wait_dma2 semaphore(%arg21 : memref<!tpu.dma_semaphore, #tpu.memory_space<semaphore_mem>>) src(%arg9 : memref<16x1280xf32, #tpu.memory_space<vmem>>) dst(%dma_wait3A_58 : memref<16x1280xf32, #tpu.memory_space<hbm>>)
    %dma_wait3A_59 = arith.constant 0 : i32
    %dma_wait3A_60 = arith.constant 0 : i32
    %dma_wait3A_61 = arith.constant 0 : i32
    %dma_wait3A_62 = tpu.memref_slice %arg8[%dma_wait3A_59, %dma_wait3A_60, %dma_wait3A_61] : memref<32x385x1280xf32, #tpu.memory_space<hbm>> -> memref<1x16x1280xf32, #tpu.memory_space<hbm>>
    %dma_wait3A_63 = tpu.memref_squeeze %dma_wait3A_62 : memref<1x16x1280xf32, #tpu.memory_space<hbm>> -> memref<16x1280xf32, #tpu.memory_space<hbm>>
    %dma_wait3A_64 = arith.constant 0 : i32
    %dma_wait3A_65 = arith.constant 0 : i32
    %dma_wait3A_66 = tpu.memref_slice %arg8[%dma_wait3A_59, %dma_wait3A_64, %dma_wait3A_65] : memref<32x385x1280xf32, #tpu.memory_space<hbm>> -> memref<1x16x1280xf32, #tpu.memory_space<hbm>>
    %dma_wait3A_67 = tpu.memref_squeeze %dma_wait3A_66 : memref<1x16x1280xf32, #tpu.memory_space<hbm>> -> memref<16x1280xf32, #tpu.memory_space<hbm>>
    tpu.wait_dma2 semaphore(%arg22 : memref<!tpu.dma_semaphore, #tpu.memory_space<semaphore_mem>>) src(%arg10 : memref<16x1280xf32, #tpu.memory_space<vmem>>) dst(%dma_wait3A_67 : memref<16x1280xf32, #tpu.memory_space<hbm>>)
    %eq3A = arith.constant 0 : i32
    %eq3A_68 = arith.cmpi eq, %add3A, %eq3A : i32
    %convert_element_type3A = arith.extui %eq3A_68 : i1 to i32
    %cond3A = arith.constant 0 : i32
    %cond3A_69 = arith.cmpi ne, %convert_element_type3A, %cond3A : i32
    scf.if %cond3A_69 {
      "tpu.region"() ({
        %run_scoped3A = tpu.sem_alloc : memref<!tpu.dma_semaphore, #tpu.memory_space<semaphore_mem>>
        %dma_start3A_76 = arith.constant 0 : i32
        %dma_start3A_77 = arith.constant 0 : i32
        %dma_start3A_78 = tpu.memref_slice %arg13[%dma_start3A_76, %dma_start3A_77] : memref<16x1280xf32, #tpu.memory_space<vmem>> -> memref<1x1280xf32, #tpu.memory_space<vmem>>
        %dma_start3A_79 = arith.constant 1600 : i32
        %dma_start3A_80 = arith.constant 0 : i32
        %dma_start3A_81 = tpu.memref_slice %arg4[%dma_start3A_79, %dma_start3A_80] : memref<1601x1280xf32, #tpu.memory_space<hbm>> -> memref<1x1280xf32, #tpu.memory_space<hbm>>
        %dma_start3A_82 = arith.constant 0 : i32
        %dma_start3A_83 = arith.constant 0 : i32
        %dma_start3A_84 = tpu.memref_slice %arg13[%dma_start3A_82, %dma_start3A_83] : memref<16x1280xf32, #tpu.memory_space<vmem>> -> memref<1x1280xf32, #tpu.memory_space<vmem>>
        %dma_start3A_85 = arith.constant 1600 : i32
        %dma_start3A_86 = arith.constant 0 : i32
        %dma_start3A_87 = tpu.memref_slice %arg4[%dma_start3A_85, %dma_start3A_86] : memref<1601x1280xf32, #tpu.memory_space<hbm>> -> memref<1x1280xf32, #tpu.memory_space<hbm>>
        tpu.enqueue_dma source(%dma_start3A_87 : memref<1x1280xf32, #tpu.memory_space<hbm>>) target(%dma_start3A_84 : memref<1x1280xf32, #tpu.memory_space<vmem>>) target_semaphore(%run_scoped3A : memref<!tpu.dma_semaphore, #tpu.memory_space<semaphore_mem>>)
        %dma_wait3A_88 = arith.constant 0 : i32
        %dma_wait3A_89 = arith.constant 0 : i32
        %dma_wait3A_90 = tpu.memref_slice %arg13[%dma_wait3A_88, %dma_wait3A_89] : memref<16x1280xf32, #tpu.memory_space<vmem>> -> memref<1x1280xf32, #tpu.memory_space<vmem>>
        %dma_wait3A_91 = arith.constant 1600 : i32
        %dma_wait3A_92 = arith.constant 0 : i32
        %dma_wait3A_93 = tpu.memref_slice %arg4[%dma_wait3A_91, %dma_wait3A_92] : memref<1601x1280xf32, #tpu.memory_space<hbm>> -> memref<1x1280xf32, #tpu.memory_space<hbm>>
        %dma_wait3A_94 = arith.constant 0 : i32
        %dma_wait3A_95 = arith.constant 0 : i32
        %dma_wait3A_96 = tpu.memref_slice %arg13[%dma_wait3A_94, %dma_wait3A_95] : memref<16x1280xf32, #tpu.memory_space<vmem>> -> memref<1x1280xf32, #tpu.memory_space<vmem>>
        %dma_wait3A_97 = arith.constant 1600 : i32
        %dma_wait3A_98 = arith.constant 0 : i32
        %dma_wait3A_99 = tpu.memref_slice %arg4[%dma_wait3A_97, %dma_wait3A_98] : memref<1601x1280xf32, #tpu.memory_space<hbm>> -> memref<1x1280xf32, #tpu.memory_space<hbm>>
        tpu.wait_dma2 semaphore(%run_scoped3A : memref<!tpu.dma_semaphore, #tpu.memory_space<semaphore_mem>>) src(%dma_wait3A_99 : memref<1x1280xf32, #tpu.memory_space<hbm>>) dst(%dma_wait3A_96 : memref<1x1280xf32, #tpu.memory_space<vmem>>)
        tpu.yield
      }) : () -> ()
      %scan3A_70 = arith.constant 0 : i32
      %scan3A_71 = arith.constant 0 : i32
      %scan3A_72 = arith.constant 32 : i32
      %scan3A_73 = arith.addi %scan3A_71, %scan3A_72 : i32
      %scan3A_74 = arith.constant 1 : i32
      scf.for %scan3A_76 = %scan3A_71 to %scan3A_73 step %scan3A_74  : i32 {
        %get3A_77 = arith.index_cast %scan3A_76 : i32 to index
        %get3A_78 = arith.constant 0 : index
        %get3A_79 = tpu.vector_load %arg14[%get3A_77, %get3A_78] {strides = array<i32>} : memref<32x128xi32, #tpu.memory_space<vmem>>, vector<1x16xi32>,
        %get3A_80 = vector.shape_cast %get3A_79 : vector<1x16xi32> to vector<16xi32>
        %slice3A_81 = vector.extract_strided_slice %get3A_80 {offsets = [0], sizes = [1], strides = [1]} : vector<16xi32> to vector<1xi32>
        %squeeze3A_82 = vector.extract %slice3A_81[0] : i32 from vector<1xi32>
        %dma_start3A_83 = arith.constant 0 : i32
        %dma_start3A_84 = arith.constant 0 : i32
        %dma_start3A_85 = tpu.memref_slice %arg11[%dma_start3A_83, %dma_start3A_84] : memref<16x1280xf32, #tpu.memory_space<vmem>> -> memref<1x1280xf32, #tpu.memory_space<vmem>>
        %dma_start3A_86 = arith.constant 1600 : i32
        %dma_start3A_87 = arith.constant 0 : i32
        %dma_start3A_88 = tpu.memref_slice %arg3[%squeeze3A_82, %dma_start3A_86, %dma_start3A_87] : memref<16x1601x1280xf32, #tpu.memory_space<hbm>> -> memref<1x1x1280xf32, #tpu.memory_space<hbm>>
        %dma_start3A_89 = tpu.memref_squeeze %dma_start3A_88 : memref<1x1x1280xf32, #tpu.memory_space<hbm>> -> memref<1x1280xf32, #tpu.memory_space<hbm>>
        %dma_start3A_90 = arith.constant 0 : i32
        %dma_start3A_91 = arith.constant 0 : i32
        %dma_start3A_92 = tpu.memref_slice %arg11[%dma_start3A_90, %dma_start3A_91] : memref<16x1280xf32, #tpu.memory_space<vmem>> -> memref<1x1280xf32, #tpu.memory_space<vmem>>
        %dma_start3A_93 = arith.constant 1600 : i32
        %dma_start3A_94 = arith.constant 0 : i32
        %dma_start3A_95 = tpu.memref_slice %arg3[%squeeze3A_82, %dma_start3A_93, %dma_start3A_94] : memref<16x1601x1280xf32, #tpu.memory_space<hbm>> -> memref<1x1x1280xf32, #tpu.memory_space<hbm>>
        %dma_start3A_96 = tpu.memref_squeeze %dma_start3A_95 : memref<1x1x1280xf32, #tpu.memory_space<hbm>> -> memref<1x1280xf32, #tpu.memory_space<hbm>>
        tpu.enqueue_dma source(%dma_start3A_96 : memref<1x1280xf32, #tpu.memory_space<hbm>>) target(%dma_start3A_92 : memref<1x1280xf32, #tpu.memory_space<vmem>>) target_semaphore(%arg19 : memref<!tpu.dma_semaphore, #tpu.memory_space<semaphore_mem>>)
        "tpu.region"() ({
          %run_scoped3A = tpu.sem_alloc : memref<!tpu.dma_semaphore, #tpu.memory_space<semaphore_mem>>
          %dma_start3A_121 = arith.constant 0 : i32
          %dma_start3A_122 = arith.constant 0 : i32
          %dma_start3A_123 = tpu.memref_slice %arg9[%dma_start3A_121, %dma_start3A_122] : memref<16x1280xf32, #tpu.memory_space<vmem>> -> memref<1x1280xf32, #tpu.memory_space<vmem>>
          %dma_start3A_124 = arith.constant 1600 : i32
          %dma_start3A_125 = arith.constant 0 : i32
          %dma_start3A_126 = tpu.memref_slice %arg2[%scan3A_76, %dma_start3A_124, %dma_start3A_125] : memref<32x1601x1280xf32, #tpu.memory_space<hbm>> -> memref<1x1x1280xf32, #tpu.memory_space<hbm>>
          %dma_start3A_127 = tpu.memref_squeeze %dma_start3A_126 : memref<1x1x1280xf32, #tpu.memory_space<hbm>> -> memref<1x1280xf32, #tpu.memory_space<hbm>>
          %dma_start3A_128 = arith.constant 0 : i32
          %dma_start3A_129 = arith.constant 0 : i32
          %dma_start3A_130 = tpu.memref_slice %arg9[%dma_start3A_128, %dma_start3A_129] : memref<16x1280xf32, #tpu.memory_space<vmem>> -> memref<1x1280xf32, #tpu.memory_space<vmem>>
          %dma_start3A_131 = arith.constant 1600 : i32
          %dma_start3A_132 = arith.constant 0 : i32
          %dma_start3A_133 = tpu.memref_slice %arg2[%scan3A_76, %dma_start3A_131, %dma_start3A_132] : memref<32x1601x1280xf32, #tpu.memory_space<hbm>> -> memref<1x1x1280xf32, #tpu.memory_space<hbm>>
          %dma_start3A_134 = tpu.memref_squeeze %dma_start3A_133 : memref<1x1x1280xf32, #tpu.memory_space<hbm>> -> memref<1x1280xf32, #tpu.memory_space<hbm>>
          tpu.enqueue_dma source(%dma_start3A_134 : memref<1x1280xf32, #tpu.memory_space<hbm>>) target(%dma_start3A_130 : memref<1x1280xf32, #tpu.memory_space<vmem>>) target_semaphore(%run_scoped3A : memref<!tpu.dma_semaphore, #tpu.memory_space<semaphore_mem>>)
          %dma_wait3A_135 = arith.constant 0 : i32
          %dma_wait3A_136 = arith.constant 0 : i32
          %dma_wait3A_137 = tpu.memref_slice %arg9[%dma_wait3A_135, %dma_wait3A_136] : memref<16x1280xf32, #tpu.memory_space<vmem>> -> memref<1x1280xf32, #tpu.memory_space<vmem>>
          %dma_wait3A_138 = arith.constant 1600 : i32
          %dma_wait3A_139 = arith.constant 0 : i32
          %dma_wait3A_140 = tpu.memref_slice %arg2[%scan3A_76, %dma_wait3A_138, %dma_wait3A_139] : memref<32x1601x1280xf32, #tpu.memory_space<hbm>> -> memref<1x1x1280xf32, #tpu.memory_space<hbm>>
          %dma_wait3A_141 = tpu.memref_squeeze %dma_wait3A_140 : memref<1x1x1280xf32, #tpu.memory_space<hbm>> -> memref<1x1280xf32, #tpu.memory_space<hbm>>
          %dma_wait3A_142 = arith.constant 0 : i32
          %dma_wait3A_143 = arith.constant 0 : i32
          %dma_wait3A_144 = tpu.memref_slice %arg9[%dma_wait3A_142, %dma_wait3A_143] : memref<16x1280xf32, #tpu.memory_space<vmem>> -> memref<1x1280xf32, #tpu.memory_space<vmem>>
          %dma_wait3A_145 = arith.constant 1600 : i32
          %dma_wait3A_146 = arith.constant 0 : i32
          %dma_wait3A_147 = tpu.memref_slice %arg2[%scan3A_76, %dma_wait3A_145, %dma_wait3A_146] : memref<32x1601x1280xf32, #tpu.memory_space<hbm>> -> memref<1x1x1280xf32, #tpu.memory_space<hbm>>
          %dma_wait3A_148 = tpu.memref_squeeze %dma_wait3A_147 : memref<1x1x1280xf32, #tpu.memory_space<hbm>> -> memref<1x1280xf32, #tpu.memory_space<hbm>>
          tpu.wait_dma2 semaphore(%run_scoped3A : memref<!tpu.dma_semaphore, #tpu.memory_space<semaphore_mem>>) src(%dma_wait3A_148 : memref<1x1280xf32, #tpu.memory_space<hbm>>) dst(%dma_wait3A_144 : memref<1x1280xf32, #tpu.memory_space<vmem>>)
          tpu.yield
        }) : () -> ()
        %dma_wait3A_97 = arith.constant 0 : i32
        %dma_wait3A_98 = arith.constant 0 : i32
        %dma_wait3A_99 = tpu.memref_slice %arg11[%dma_wait3A_97, %dma_wait3A_98] : memref<16x1280xf32, #tpu.memory_space<vmem>> -> memref<1x1280xf32, #tpu.memory_space<vmem>>
        %dma_wait3A_100 = arith.constant 1600 : i32
        %dma_wait3A_101 = arith.constant 0 : i32
        %dma_wait3A_102 = tpu.memref_slice %arg3[%squeeze3A_82, %dma_wait3A_100, %dma_wait3A_101] : memref<16x1601x1280xf32, #tpu.memory_space<hbm>> -> memref<1x1x1280xf32, #tpu.memory_space<hbm>>
        %dma_wait3A_103 = tpu.memref_squeeze %dma_wait3A_102 : memref<1x1x1280xf32, #tpu.memory_space<hbm>> -> memref<1x1280xf32, #tpu.memory_space<hbm>>
        %dma_wait3A_104 = arith.constant 0 : i32
        %dma_wait3A_105 = arith.constant 0 : i32
        %dma_wait3A_106 = tpu.memref_slice %arg11[%dma_wait3A_104, %dma_wait3A_105] : memref<16x1280xf32, #tpu.memory_space<vmem>> -> memref<1x1280xf32, #tpu.memory_space<vmem>>
        %dma_wait3A_107 = arith.constant 1600 : i32
        %dma_wait3A_108 = arith.constant 0 : i32
        %dma_wait3A_109 = tpu.memref_slice %arg3[%squeeze3A_82, %dma_wait3A_107, %dma_wait3A_108] : memref<16x1601x1280xf32, #tpu.memory_space<hbm>> -> memref<1x1x1280xf32, #tpu.memory_space<hbm>>
        %dma_wait3A_110 = tpu.memref_squeeze %dma_wait3A_109 : memref<1x1x1280xf32, #tpu.memory_space<hbm>> -> memref<1x1280xf32, #tpu.memory_space<hbm>>
        tpu.wait_dma2 semaphore(%arg19 : memref<!tpu.dma_semaphore, #tpu.memory_space<semaphore_mem>>) src(%dma_wait3A_110 : memref<1x1280xf32, #tpu.memory_space<hbm>>) dst(%dma_wait3A_106 : memref<1x1280xf32, #tpu.memory_space<vmem>>)
        %get3A_111 = arith.index_cast %scan3A_76 : i32 to index
        %get3A_112 = arith.constant 0 : index
        %get3A_113 = tpu.vector_load %arg15[%get3A_111, %get3A_112] {strides = array<i32>} : memref<32x128xf32, #tpu.memory_space<vmem>>, vector<1x16xf32>,
        %get3A_114 = vector.shape_cast %get3A_113 : vector<1x16xf32> to vector<16xf32>
        %scan3A_115 = arith.constant 0 : i32
        %scan3A_116 = arith.constant 0 : i32
        %scan3A_117 = arith.constant 80 : i32
        %scan3A_118 = arith.addi %scan3A_116, %scan3A_117 : i32
        %scan3A_119 = arith.constant 1 : i32
        scf.for %scan3A_121 = %scan3A_116 to %scan3A_118 step %scan3A_119  : i32 {
          %mul3A_122 = arith.constant 16 : i32
          %mul3A_123 = arith.muli %scan3A_121, %mul3A_122 : i32
          %get3A_124 = arith.constant 0 : i32
          %get3A_125 = arith.index_cast %get3A_124 : i32 to index
          %get3A_126 = arith.index_cast %mul3A_123 : i32 to index
          %get3A_127 = tpu.vector_load %arg9[%get3A_125, %get3A_126] {strides = array<i32>} : memref<16x1280xf32, #tpu.memory_space<vmem>>, vector<1x16xf32>,
          %get3A_128 = vector.shape_cast %get3A_127 : vector<1x16xf32> to vector<16xf32>
          %get3A_129 = arith.constant 0 : i32
          %get3A_130 = arith.index_cast %get3A_129 : i32 to index
          %get3A_131 = arith.index_cast %mul3A_123 : i32 to index
          %get3A_132 = tpu.vector_load %arg13[%get3A_130, %get3A_131] {strides = array<i32>} : memref<16x1280xf32, #tpu.memory_space<vmem>>, vector<1x16xf32>,
          %get3A_133 = vector.shape_cast %get3A_132 : vector<1x16xf32> to vector<16xf32>
          %mul3A_134 = arith.mulf %get3A_4, %get3A_133 : vector<16xf32>
          %add3A_135 = arith.addf %get3A_128, %mul3A_134 : vector<16xf32>
          %get3A_136 = arith.constant 0 : i32
          %get3A_137 = arith.index_cast %get3A_136 : i32 to index
          %get3A_138 = arith.index_cast %mul3A_123 : i32 to index
          %get3A_139 = tpu.vector_load %arg11[%get3A_137, %get3A_138] {strides = array<i32>} : memref<16x1280xf32, #tpu.memory_space<vmem>>, vector<1x16xf32>,
          %get3A_140 = vector.shape_cast %get3A_139 : vector<1x16xf32> to vector<16xf32>
          %mul3A_141 = arith.mulf %get3A_114, %get3A_140 : vector<16xf32>
          %add3A_142 = arith.addf %add3A_135, %mul3A_141 : vector<16xf32>
          %swap3A = arith.constant 0 : i32
          %swap3A_143 = arith.index_cast %swap3A : i32 to index
          %swap3A_144 = arith.index_cast %mul3A_123 : i32 to index
          %swap3A_145 = tpu.vector_load %arg9[%swap3A_143, %swap3A_144] {strides = array<i32>} : memref<16x1280xf32, #tpu.memory_space<vmem>>, vector<1x16xf32>,
          %swap3A_146 = vector.shape_cast %swap3A_145 : vector<1x16xf32> to vector<16xf32>
          %swap3A_147 = vector.shape_cast %add3A_142 : vector<16xf32> to vector<1x16xf32>
          tpu.vector_store %arg9[%swap3A_143, %swap3A_144], %swap3A_147 {strides = array<i32>} : memref<16x1280xf32, #tpu.memory_space<vmem>>, vector<1x16xf32>,
        }
        %scan3A_120 = arith.constant 80 : i32
        "tpu.region"() ({
          %run_scoped3A = tpu.sem_alloc : memref<!tpu.dma_semaphore, #tpu.memory_space<semaphore_mem>>
          %dma_start3A_121 = arith.constant 0 : i32
          %dma_start3A_122 = arith.constant 0 : i32
          %dma_start3A_123 = tpu.memref_slice %arg9[%dma_start3A_121, %dma_start3A_122] : memref<16x1280xf32, #tpu.memory_space<vmem>> -> memref<1x1280xf32, #tpu.memory_space<vmem>>
          %dma_start3A_124 = arith.constant 384 : i32
          %dma_start3A_125 = arith.constant 0 : i32
          %dma_start3A_126 = tpu.memref_slice %arg8[%scan3A_76, %dma_start3A_124, %dma_start3A_125] : memref<32x385x1280xf32, #tpu.memory_space<hbm>> -> memref<1x1x1280xf32, #tpu.memory_space<hbm>>
          %dma_start3A_127 = tpu.memref_squeeze %dma_start3A_126 : memref<1x1x1280xf32, #tpu.memory_space<hbm>> -> memref<1x1280xf32, #tpu.memory_space<hbm>>
          %dma_start3A_128 = arith.constant 384 : i32
          %dma_start3A_129 = arith.constant 0 : i32
          %dma_start3A_130 = tpu.memref_slice %arg8[%scan3A_76, %dma_start3A_128, %dma_start3A_129] : memref<32x385x1280xf32, #tpu.memory_space<hbm>> -> memref<1x1x1280xf32, #tpu.memory_space<hbm>>
          %dma_start3A_131 = tpu.memref_squeeze %dma_start3A_130 : memref<1x1x1280xf32, #tpu.memory_space<hbm>> -> memref<1x1280xf32, #tpu.memory_space<hbm>>
          %dma_start3A_132 = arith.constant 0 : i32
          %dma_start3A_133 = arith.constant 0 : i32
          %dma_start3A_134 = tpu.memref_slice %arg9[%dma_start3A_132, %dma_start3A_133] : memref<16x1280xf32, #tpu.memory_space<vmem>> -> memref<1x1280xf32, #tpu.memory_space<vmem>>
          tpu.enqueue_dma source(%dma_start3A_134 : memref<1x1280xf32, #tpu.memory_space<vmem>>) target(%dma_start3A_131 : memref<1x1280xf32, #tpu.memory_space<hbm>>) target_semaphore(%run_scoped3A : memref<!tpu.dma_semaphore, #tpu.memory_space<semaphore_mem>>)
          %dma_wait3A_135 = arith.constant 0 : i32
          %dma_wait3A_136 = arith.constant 0 : i32
          %dma_wait3A_137 = tpu.memref_slice %arg9[%dma_wait3A_135, %dma_wait3A_136] : memref<16x1280xf32, #tpu.memory_space<vmem>> -> memref<1x1280xf32, #tpu.memory_space<vmem>>
          %dma_wait3A_138 = arith.constant 384 : i32
          %dma_wait3A_139 = arith.constant 0 : i32
          %dma_wait3A_140 = tpu.memref_slice %arg8[%scan3A_76, %dma_wait3A_138, %dma_wait3A_139] : memref<32x385x1280xf32, #tpu.memory_space<hbm>> -> memref<1x1x1280xf32, #tpu.memory_space<hbm>>
          %dma_wait3A_141 = tpu.memref_squeeze %dma_wait3A_140 : memref<1x1x1280xf32, #tpu.memory_space<hbm>> -> memref<1x1280xf32, #tpu.memory_space<hbm>>
          %dma_wait3A_142 = arith.constant 384 : i32
          %dma_wait3A_143 = arith.constant 0 : i32
          %dma_wait3A_144 = tpu.memref_slice %arg8[%scan3A_76, %dma_wait3A_142, %dma_wait3A_143] : memref<32x385x1280xf32, #tpu.memory_space<hbm>> -> memref<1x1x1280xf32, #tpu.memory_space<hbm>>
          %dma_wait3A_145 = tpu.memref_squeeze %dma_wait3A_144 : memref<1x1x1280xf32, #tpu.memory_space<hbm>> -> memref<1x1280xf32, #tpu.memory_space<hbm>>
          %dma_wait3A_146 = arith.constant 0 : i32
          %dma_wait3A_147 = arith.constant 0 : i32
          %dma_wait3A_148 = tpu.memref_slice %arg9[%dma_wait3A_146, %dma_wait3A_147] : memref<16x1280xf32, #tpu.memory_space<vmem>> -> memref<1x1280xf32, #tpu.memory_space<vmem>>
          tpu.wait_dma2 semaphore(%run_scoped3A : memref<!tpu.dma_semaphore, #tpu.memory_space<semaphore_mem>>) src(%dma_wait3A_148 : memref<1x1280xf32, #tpu.memory_space<vmem>>) dst(%dma_wait3A_145 : memref<1x1280xf32, #tpu.memory_space<hbm>>)
          tpu.yield
        }) : () -> ()
      }
      %scan3A_75 = arith.constant 32 : i32
    } else {
    }
    return
  }
}

module attributes {stable_mosaic.version = 14 : i64} {
  func.func @body(%arg0: i32, %arg1: i32, %arg2: i32, %arg3: memref<32xi32, #tpu.memory_space<smem>>, %arg4: memref<1xf32, #tpu.memory_space<smem>>, %arg5: memref<32xf32, #tpu.memory_space<smem>>, %arg6: memref<1x1x64x1280xf32, #tpu.memory_space<vmem>>, %arg7: memref<64x1280xf32, #tpu.memory_space<vmem>>, %arg8: memref<1x64x1280xf32, #tpu.memory_space<vmem>>, %arg9: memref<1x1x64x1280xf32, #tpu.memory_space<vmem>>) attributes {dimension_semantics = [#tpu.dimension_semantics<arbitrary>, #tpu.dimension_semantics<arbitrary>, #tpu.dimension_semantics<arbitrary>], iteration_bounds = array<i64: 19, 8, 4>, scalar_prefetch = 1 : i64, scratch_operands = 0 : i64, tpu.core_type = #tpu.core_type<tc>, window_params = [{transform_indices = @transform_0, window_bounds = array<i64: 1>}, {transform_indices = @transform_1, window_bounds = array<i64: 32>}, {transform_indices = @transform_2, window_bounds = array<i64: 1, 1, 64, 1280>}, {transform_indices = @transform_3, window_bounds = array<i64: 64, 1280>}, {transform_indices = @transform_4, window_bounds = array<i64: 1, 64, 1280>}, {transform_indices = @transform_5, window_bounds = array<i64: 1, 1, 64, 1280>}]} {
    %mul3A = arith.constant 4 : i32
    %mul3A_0 = arith.muli %arg1, %mul3A : i32
    %add3A = arith.addi %mul3A_0, %arg2 : i32
    %get3A = arith.index_cast %add3A : i32 to index
    %get3A_1 = memref.load %arg5[%get3A] : memref<32xf32, #tpu.memory_space<smem>>
    %get3A_2 = arith.constant 0 : index
    %get3A_3 = memref.load %arg4[%get3A_2] : memref<1xf32, #tpu.memory_space<smem>>
    %get3A_4 = arith.constant 0 : index
    %get3A_5 = arith.constant 0 : index
    %get3A_6 = vector.load %arg7[%get3A_4, %get3A_5] : memref<64x1280xf32, #tpu.memory_space<vmem>>, vector<64x1280xf32>
    %mul3A_7 = vector.broadcast %get3A_3 : f32 to vector<64x1280xf32>
    %mul3A_8 = arith.mulf %mul3A_7, %get3A_6 : vector<64x1280xf32>
    %get3A_9 = arith.constant 0 : index
    %get3A_10 = arith.constant 0 : index
    %get3A_11 = arith.constant 0 : index
    %get3A_12 = vector.load %arg8[%get3A_9, %get3A_10, %get3A_11] : memref<1x64x1280xf32, #tpu.memory_space<vmem>>, vector<1x64x1280xf32>
    %get3A_13 = vector.shape_cast %get3A_12 : vector<1x64x1280xf32> to vector<64x1280xf32>
    %mul3A_14 = vector.broadcast %get3A_1 : f32 to vector<64x1280xf32>
    %mul3A_15 = arith.mulf %mul3A_14, %get3A_13 : vector<64x1280xf32>
    %add3A_16 = arith.addf %mul3A_8, %mul3A_15 : vector<64x1280xf32>
    %get3A_17 = arith.constant 0 : index
    %get3A_18 = arith.constant 0 : index
    %get3A_19 = arith.constant 0 : index
    %get3A_20 = arith.constant 0 : index
    %get3A_21 = vector.load %arg6[%get3A_17, %get3A_18, %get3A_19, %get3A_20] : memref<1x1x64x1280xf32, #tpu.memory_space<vmem>>, vector<1x1x64x1280xf32>
    %broadcast_in_dim3A = vector.shape_cast %add3A_16 : vector<64x1280xf32> to vector<1x1x64x1280xf32>
    %add3A_22 = arith.addf %get3A_21, %broadcast_in_dim3A : vector<1x1x64x1280xf32>
    %swap3A = arith.constant 0 : index
    %swap3A_23 = arith.constant 0 : index
    %swap3A_24 = arith.constant 0 : index
    %swap3A_25 = arith.constant 0 : index
    %swap3A_26 = vector.load %arg9[%swap3A, %swap3A_23, %swap3A_24, %swap3A_25] : memref<1x1x64x1280xf32, #tpu.memory_space<vmem>>, vector<1x1x64x1280xf32>
    tpu.vector_store %arg9[%swap3A, %swap3A_23, %swap3A_24, %swap3A_25], %add3A_22 {strides = array<i32>} : memref<1x1x64x1280xf32, #tpu.memory_space<vmem>>, vector<1x1x64x1280xf32>,
    return
  }
  func.func @transform_0(%arg0: i32, %arg1: i32, %arg2: i32, %arg3: memref<32xi32, #tpu.memory_space<smem>>) -> i32 {
    %c0_i32 = arith.constant 0 : i32
    %c0_i32_0 = arith.constant 0 : i32
    return %c0_i32 : i32
  }
  func.func @transform_1(%arg0: i32, %arg1: i32, %arg2: i32, %arg3: memref<32xi32, #tpu.memory_space<smem>>) -> i32 {
    %c0_i32 = arith.constant 0 : i32
    %c0_i32_0 = arith.constant 0 : i32
    return %c0_i32 : i32
  }
  func.func @transform_2(%arg0: i32, %arg1: i32, %arg2: i32, %arg3: memref<32xi32, #tpu.memory_space<smem>>) -> (i32, i32, i32, i32) {
    %c0_i32 = arith.constant 0 : i32
    %c0_i32_0 = arith.constant 0 : i32
    return %arg1, %arg2, %arg0, %c0_i32 : i32, i32, i32, i32
  }
  func.func @transform_3(%arg0: i32, %arg1: i32, %arg2: i32, %arg3: memref<32xi32, #tpu.memory_space<smem>>) -> (i32, i32) {
    %c0_i32 = arith.constant 0 : i32
    %c0_i32_0 = arith.constant 0 : i32
    return %arg0, %c0_i32 : i32, i32
  }
  func.func @transform_4(%arg0: i32, %arg1: i32, %arg2: i32, %arg3: memref<32xi32, #tpu.memory_space<smem>>) -> (i32, i32, i32) {
    %mul3A = arith.constant 4 : i32
    %mul3A_0 = arith.muli %arg1, %mul3A : i32
    %add3A = arith.addi %mul3A_0, %arg2 : i32
    %get3A = arith.index_cast %add3A : i32 to index
    %get3A_1 = memref.load %arg3[%get3A] : memref<32xi32, #tpu.memory_space<smem>>
    %c0_i32 = arith.constant 0 : i32
    %c0_i32_2 = arith.constant 0 : i32
    return %get3A_1, %arg0, %c0_i32 : i32, i32, i32
  }
  func.func @transform_5(%arg0: i32, %arg1: i32, %arg2: i32, %arg3: memref<32xi32, #tpu.memory_space<smem>>) -> (i32, i32, i32, i32) {
    %c0_i32 = arith.constant 0 : i32
    %c0_i32_0 = arith.constant 0 : i32
    return %arg1, %arg2, %arg0, %c0_i32 : i32, i32, i32, i32
  }
}

module attributes {stable_mosaic.version = 14 : i64} {
  func.func @body(%arg0: i32, %arg1: i32, %arg2: i32, %arg3: memref<1x1x64x1280xf32, #tpu.memory_space<vmem>>, %arg4: memref<1x1x64x1280xf32, #tpu.memory_space<vmem>>, %arg5: memref<1x1x64x1280xf32, #tpu.memory_space<vmem>>) attributes {dimension_semantics = [#tpu.dimension_semantics<arbitrary>, #tpu.dimension_semantics<arbitrary>, #tpu.dimension_semantics<arbitrary>], iteration_bounds = array<i64: 26, 8, 4>, scalar_prefetch = 0 : i64, scratch_operands = 0 : i64, tpu.core_type = #tpu.core_type<tc>, window_params = [{transform_indices = @transform_0, window_bounds = array<i64: 1, 1, 64, 1280>}, {transform_indices = @transform_1, window_bounds = array<i64: 1, 1, 64, 1280>}, {transform_indices = @transform_2, window_bounds = array<i64: 1, 1, 64, 1280>}]} {
    %lt3A = arith.constant 19 : i32
    %lt3A_0 = arith.cmpi slt, %arg0, %lt3A : i32
    %convert_element_type3A = arith.extui %lt3A_0 : i1 to i32
    %cond3A = arith.constant 0 : i32
    %cond3A_1 = arith.cmpi ne, %convert_element_type3A, %cond3A : i32
    scf.if %cond3A_1 {
      %get3A = arith.constant 0 : index
      %get3A_6 = arith.constant 0 : index
      %get3A_7 = arith.constant 0 : index
      %get3A_8 = arith.constant 0 : index
      %get3A_9 = vector.load %arg3[%get3A, %get3A_6, %get3A_7, %get3A_8] : memref<1x1x64x1280xf32, #tpu.memory_space<vmem>>, vector<1x1x64x1280xf32>
      %swap3A = arith.constant 0 : index
      %swap3A_10 = arith.constant 0 : index
      %swap3A_11 = arith.constant 0 : index
      %swap3A_12 = arith.constant 0 : index
      %swap3A_13 = vector.load %arg5[%swap3A, %swap3A_10, %swap3A_11, %swap3A_12] : memref<1x1x64x1280xf32, #tpu.memory_space<vmem>>, vector<1x1x64x1280xf32>
      tpu.vector_store %arg5[%swap3A, %swap3A_10, %swap3A_11, %swap3A_12], %get3A_9 {strides = array<i32>} : memref<1x1x64x1280xf32, #tpu.memory_space<vmem>>, vector<1x1x64x1280xf32>,
    } else {
    }
    %ge3A = arith.constant 19 : i32
    %ge3A_2 = arith.cmpi sge, %arg0, %ge3A : i32
    %convert_element_type3A_3 = arith.extui %ge3A_2 : i1 to i32
    %cond3A_4 = arith.constant 0 : i32
    %cond3A_5 = arith.cmpi ne, %convert_element_type3A_3, %cond3A_4 : i32
    scf.if %cond3A_5 {
      %get3A = arith.constant 0 : index
      %get3A_6 = arith.constant 0 : index
      %get3A_7 = arith.constant 0 : index
      %get3A_8 = arith.constant 0 : index
      %get3A_9 = vector.load %arg4[%get3A, %get3A_6, %get3A_7, %get3A_8] : memref<1x1x64x1280xf32, #tpu.memory_space<vmem>>, vector<1x1x64x1280xf32>
      %swap3A = arith.constant 0 : index
      %swap3A_10 = arith.constant 0 : index
      %swap3A_11 = arith.constant 0 : index
      %swap3A_12 = arith.constant 0 : index
      %swap3A_13 = vector.load %arg5[%swap3A, %swap3A_10, %swap3A_11, %swap3A_12] : memref<1x1x64x1280xf32, #tpu.memory_space<vmem>>, vector<1x1x64x1280xf32>
      tpu.vector_store %arg5[%swap3A, %swap3A_10, %swap3A_11, %swap3A_12], %get3A_9 {strides = array<i32>} : memref<1x1x64x1280xf32, #tpu.memory_space<vmem>>, vector<1x1x64x1280xf32>,
    } else {
    }
    return
  }
  func.func @transform_0(%arg0: i32, %arg1: i32, %arg2: i32) -> (i32, i32, i32, i32) {
    %min3A = arith.constant 18 : i32
    %min3A_0 = arith.minsi %arg0, %min3A : i32
    %c0_i32 = arith.constant 0 : i32
    %c0_i32_1 = arith.constant 0 : i32
    return %arg1, %arg2, %min3A_0, %c0_i32 : i32, i32, i32, i32
  }
  func.func @transform_1(%arg0: i32, %arg1: i32, %arg2: i32) -> (i32, i32, i32, i32) {
    %sub3A = arith.constant 19 : i32
    %sub3A_0 = arith.subi %arg0, %sub3A : i32
    %max3A = arith.constant 0 : i32
    %max3A_1 = arith.maxsi %sub3A_0, %max3A : i32
    %c0_i32 = arith.constant 0 : i32
    %c0_i32_2 = arith.constant 0 : i32
    return %arg1, %arg2, %max3A_1, %c0_i32 : i32, i32, i32, i32
  }
  func.func @transform_2(%arg0: i32, %arg1: i32, %arg2: i32) -> (i32, i32, i32, i32) {
    %c0_i32 = arith.constant 0 : i32
    %c0_i32_0 = arith.constant 0 : i32
    return %arg1, %arg2, %arg0, %c0_i32 : i32, i32, i32, i32
  }
}

</mosaic_0001>

<sc_bundles>
// kernel: kernel.5.cloned.1.call-start
scs
__scs_entry_jumppad:
0x0: {  	(pc) =	sbr.rel $0x88, $3  }
0x1: {  	(tag) =	ssettag $0x0;
	lr =	simm.s32 $0x1  }
0x2: {  	[smem:$0x3F9C] =	sst lr;
	_ =	strace $0xD0000000  }
0x3: {  	_ = 	snop  }
0x4: {  	_ = 	snop  }
0x5: {  	_ = 	snop  }
0x6: {  	_ = 	snop  }
0x7: {  	_ = 	snop  }
__scs_overlays_trampoline_lowered:
0x8: {  	[smem:$0x3FAB] =	sst s0  }
0x9: {  	[smem:$0x3FAC] =	sst s1  }
0xa: {  	[smem:$0x3FAD] =	sst s2  }
0xb: {  	[smem:$0x3FAE] =	sst s3  }
0xc: {  	[smem:$0x3FAF] =	sst s4  }
0xd: {  	[smem:$0x3FB0] =	sst s5  }
0xe: {  	[smem:$0x3FB1] =	sst s6  }
0xf: {  	[smem:$0x3FB2] =	sst s7  }
0x10: {  	[smem:$0x3FB3] =	sst s8  }
0x11: {  	[smem:$0x3FB4] =	sst s9;
	s0 =	simm.s32 @!p0 $0x0  }
0x12: {  	s1 =	sld [smem:$0x3F9A];
	s0 =	simm.s32 @p0 $0x1  }
0x13: {  	[smem:$0x3FB5] =	sst s0;
	s0 =	simm.s32 @!p1 $0x0  }
0x14: {  	s2 =	sld [smem:$0x3F99];
	s0 =	simm.s32 @p1 $0x1  }
0x15: {  	[smem:$0x3FB6] =	sst s0;
	s0 =	simm.s32 @!p2 $0x0  }
0x16: {  	s3 =	sld [smem:$0x3FDB];
	s0 =	simm.s32 @p2 $0x1  }
0x17: {  	s4 =	simm.s32 $0x1BF5;
	[smem:$0x3FB8] =	sst s0  }
0x18: {  	s0 =	sld [smem:$0x3F9B];
	_ =	swait.ge [sflag:s4], $0x0  }
0x19: {  	s7 =	sld [smem:$0x3F9C]  }
0x1a: {  	s8 =	sadd.s32 $0xFFFFE003, lr  }
0x1b: {  	s9 =	sadd.s32 $0xFFFFFEF7, lr;
	s5 =	simm.s32 $0xFFFFFFFF;
	p2 =	slt.u32 s8, $0xFFFFF086  }
0x1c: {  	p1 =	slt.u32 s9, $0xF7A;
	s5 =	simm.s32 @!p2 $0x0  }
0x1d: {  	s5 =	simm.s32 @p1 $0x1;
	p0 =	seq.s32 s7, s2  }
0x1e: {  	s7 =	smul.u32 @!p0 $0xF7A, s2;
	p2 =	seq.s32 @!p0 s5, $0x0  }
0x1f: {  	s9 =	smul.u32 $0xF7A, s1;
	s8 =	simm.s32 @!p0 $0x1BF5;
	p2 =	por !p2, p0  }
0x20: {  	[sflag:s8] =	ssyncset.s32 @!p0 $0xFFFFF086;
	s6 =	sadd.s32 @!p0 s3, s7;
	s7 =	simm.s32 @!p0 $0x108  }
0x21: {  	s3 =	sadd.s32 s3, s9;
	s6 =	sadd.s32 @!p0 $0x88, s6;
	s7 =	simm.s32 @p2 $0x1082  }
0x22: {  	[simem:s7], [sflag:s8] =	dma.local @!p0 [hbm:s6], $0xF7A  }
0x23: {  	s9 =	sor.u32 $0xD0000000, s2;
	s6 =	simm.s32 $0x108;
	_ =	swait.ge @!p0 [sflag:s8], $0x0  }
0x24: {  	s3 =	sadd.s32 $0x88, s3;
	s6 =	simm.s32 @!p1 $0x1082;
	[sflag:s4] =	ssyncset.s32 $0xFFFFF086  }
0x25: {  	[simem:s6], [sflag:s4] =	dma.local [hbm:s3], $0xF7A  }
0x26: {  	[smem:$0x3F9C] =	sst s1;
	(tag) =	ssettag s2;
	_ =	strace s9  }
0x27: {  	s1 =	sld [smem:$0x3FAC]  }
0x28: {  	s2 =	sld [smem:$0x3FAD]  }
0x29: {  	s4 =	sld [smem:$0x3FAF]  }
0x2a: {  	p0 =	seq.s32 s5, $0x0;
	s5 =	sld [smem:$0x3FB0]  }
0x2b: {  	s6 =	sld [smem:$0x3FB1]  }
0x2c: {  	s7 =	sld [smem:$0x3FB2]  }
0x2d: {  	s3 =	simm.s32 $0x108;
	s8 =	sld [smem:$0x3FB3]  }
0x2e: {  	s3 =	simm.s32 @!p0 $0x1082;
	s9 =	sld [smem:$0x3FB4]  }
0x2f: {  	lr =	sadd.s32 s0, s3;
	s0 =	sld [smem:$0x3FAB]  }
0x30: {  	s3 =	sld [smem:$0x3FAE]  }
0x31: {  	[smem:$0x3FB7] =	sst s10  }
0x32: {  	s10 =	sld [smem:$0x3FB5];
	_ =	sdelay $0x3  }
0x33: {  	p0 =	seq.s32 s10, $0x1;
	s10 =	sld [smem:$0x3FB7];
	_ =	sdelay $0x3  }
0x34: {  	[smem:$0x3FB7] =	sst s10  }
0x35: {  	s10 =	sld [smem:$0x3FB6];
	_ =	sdelay $0x3  }
0x36: {  	p1 =	seq.s32 s10, $0x1;
	s10 =	sld [smem:$0x3FB7];
	_ =	sdelay $0x3  }
0x37: {  	[smem:$0x3FB7] =	sst s10  }
0x38: {  	s10 =	sld [smem:$0x3FB8]  }
0x39: {  	_ = 	snop;
	(pc) =	sbr.ind lr, $3  }
0x3a: {  	_ = 	snop  }
0x3b: {  	_ = 	snop  }
0x3c: {  	p2 =	seq.s32 s10, $0x1;
	s10 =	sld [smem:$0x3FB7]  }
0x3d: {  	_ =	shalt  }
0x3e: {  	_ =	shalt  }
0x3f: {  	_ =	shalt  }
0x40: {  	_ =	shalt  }
0x41: {  	_ =	shalt  }
0x42: {  	_ =	shalt  }
0x43: {  	_ =	shalt  }
0x44: {  	_ =	shalt  }
0x45: {  	_ =	shalt  }
0x46: {  	_ =	shalt  }
0x47: {  	_ =	shalt  }
0x48: {  	_ =	shalt  }
0x49: {  	_ =	shalt  }
0x4a: {  	_ =	shalt  }
0x4b: {  	_ =	shalt  }
0x4c: {  	_ =	shalt  }
0x4d: {  	_ =	shalt  }
0x4e: {  	_ =	shalt  }
0x4f: {  	_ =	shalt  }
0x50: {  	_ =	shalt  }
0x51: {  	_ =	shalt  }
0x52: {  	_ =	shalt  }
0x53: {  	_ =	shalt  }
0x54: {  	_ =	shalt  }
0x55: {  	_ =	shalt  }
0x56: {  	_ =	shalt  }
0x57: {  	_ =	shalt  }
0x58: {  	_ =	shalt  }
0x59: {  	_ =	shalt  }
0x5a: {  	_ =	shalt  }
0x5b: {  	_ =	shalt  }
0x5c: {  	_ =	shalt  }
0x5d: {  	_ =	shalt  }
0x5e: {  	_ =	shalt  }
0x5f: {  	_ =	shalt  }
0x60: {  	_ =	shalt  }
0x61: {  	_ =	shalt  }
0x62: {  	_ =	shalt  }
0x63: {  	_ =	shalt  }
0x64: {  	_ =	shalt  }
0x65: {  	_ =	shalt  }
0x66: {  	_ =	shalt  }
0x67: {  	_ =	shalt  }
0x68: {  	_ =	shalt  }
0x69: {  	_ =	shalt  }
0x6a: {  	_ =	shalt  }
0x6b: {  	_ =	shalt  }
0x6c: {  	_ =	shalt  }
0x6d: {  	_ =	shalt  }
0x6e: {  	_ =	shalt  }
0x6f: {  	_ =	shalt  }
0x70: {  	_ =	shalt  }
0x71: {  	_ =	shalt  }
0x72: {  	_ =	shalt  }
0x73: {  	_ =	shalt  }
0x74: {  	_ =	shalt  }
0x75: {  	_ =	shalt  }
0x76: {  	_ =	shalt  }
0x77: {  	_ =	shalt  }
0x78: {  	_ =	shalt  }
0x79: {  	_ =	shalt  }
0x7a: {  	_ =	shalt  }
0x7b: {  	_ =	shalt  }
0x7c: {  	_ =	shalt  }
0x7d: {  	_ =	shalt  }
0x7e: {  	_ =	shalt  }
0x7f: {  	_ =	shalt  }
0x80: {  	_ =	shalt  }
0x81: {  	_ =	shalt  }
0x82: {  	_ =	shalt  }
0x83: {  	_ =	shalt  }
0x84: {  	_ =	shalt  }
0x85: {  	_ =	shalt  }
0x86: {  	_ =	shalt  }
0x87: {  	_ =	shalt  }
.Lfunc_end0:
.L_simem_size_0:
called_computation_lowered:
.L_overlay_start_0:
0x88: {  	s2 =	sld [smem:$0x3FD9]  }
0x89: {  	s3 =	sld [smem:$0x3FFE];
	_ =	sdelay $0x1  }
0x8a: {  	s1 =	srdreg.scid  }
0x8b: {  	s0 =	sand.u32 $0x1, s1  }
0x8c: {  	s17 =	sshll.u32 s0, $0xA;
	s2 =	sadd.s32 s3, s2  }
0x8d: {  	s2 =	sadd.s32 s2, s17  }
0x8e: {  	[smem:$0x3FC3] =	sst s2  }
0x8f: {  	_ = 	snop  }
0x90: {  	s2 =	sld [smem:$0x3FC7];
	(tm) =	ssettm $0x1  }
0x91: {  	s18 =	sld [smem:$0x3FFB];
	_ =	sdelay $0x3  }
0x92: {  	_ =	strace s18  }
0x93: {  	s3 =	sld [smem:$0x3FFC];
	_ =	sdelay $0x3  }
0x94: {  	_ =	strace s3  }
0x95: {  	s3 =	sld [smem:$0x3FFD];
	_ =	sdelay $0x3  }
0x96: {  	_ =	strace s3  }
0x97: {  	_ =	strace $0x8FFFFFFF  }
0x98: {  	s19 =	sld [smem:$0x3FDB];
	_ =	sdelay $0x1  }
0x99: {  	s4 =	simm.s32 $_scs_section_size  }
0x9a: {  	s5 =	simm.s32 $_size__tile_overlayer_lowered;
	s6 =	simm.s32 $_tile_overlayer_lowered  }
0x9b: {  	s22 =	simm.s32 $0x1BFF;
	s21 =	sshll.u32 s6, $0x1;
	s3 =	sadd.s32 s4, s19  }
0x9c: {  	s7 =	simm.s32 $0x0;
	s20 =	sshll.u32 s5, $0x1;
	s5 =	sadd.s32 s21, s3  }
0x9d: {  	[timem:s7], [sflag:s22] =	dma.local [hbm:s5], s20  }
0x9e: {  	_ =	swait.ge [sflag:s22], s20  }
0x9f: {  	s4 =	ssub.s32 $0x0, s20;
	[sflag:s22] =	ssyncset.done $0x0  }
0xa0: {  	[sflag:s22] =	ssyncadd.s32 s4;
	_ =	sdelay $0x1  }
0xa1: {  	s23 =	simm.s32 $0x1B8B  }
0xa2: {  	_ =	swait.ge [sflag:s23], $0x1  }
0xa3: {  	[sflag:s23] =	ssyncset.done $0x0  }
0xa4: {  	s25 =	simm.s32 $0x1B8E;
	s24 =	sld [smem:$0x3FFE];
	[sflag:s23] =	ssyncadd.s32 $0xFFFFFFFF  }
0xa5: {  	s26 =	simm.s32 $execute0_lowered;
	[smem:$0x3FD2] =	sst s25  }
0xa6: {  	s5 =	sshll.u32 s26, $0x1;
	_ =	strace $0x80000046;
	[dreg:$0x1] =	wrdreg $0xFFFFFFFF  }
0xa7: {  	s28 =	simm.s32 $_size_execute0_lowered;
	s3 =	sadd.s32 s3, s5;
	[dreg:$0x0] =	wrdreg $0x0  }
0xa8: {  	s5 =	sshll.u32 s28, $0x1;
	[dreg:$0x2] =	wrdreg s3  }
0xa9: {  	[dreg:$0x3] =	wrdreg s5  }
0xaa: {  	[dreg:$0x4] =	wrdreg $0xC0  }
0xab: {  	_ =	task [dreg:s7], $0x5FFFF  }
0xac: {  	[dreg:$0x1] =	wrdreg $0xFFFFFFFF  }
0xad: {  	[dreg:$0x0] =	wrdreg $0x60  }
0xae: {  	[dreg:$0x2] =	wrdreg s24  }
0xaf: {  	[dreg:$0x3] =	wrdreg s2  }
0xb0: {  	[dreg:$0x4] =	wrdreg $0x9  }
0xb1: {  	_ =	task.clear_ibuf [dreg:s7], $0x5FFFF;
	_ =	strace $0x90000046  }
0xb2: {  	s29 =	simm.s32 $0x9;
	_ =	strace $0x80000048  }
0xb3: {  	_ =	swait.ge [sflag:s29], $0x1  }
0xb4: {  	[sflag:s29] =	ssyncadd.s32 $0xFFFFFFFF  }
0xb5: {  	_ =	strace $0x90000048  }
0xb6: {  	_ =	sfence  }
0xb7: {  	s30 =	sld [smem:$0x0];
	_ =	sdelay $0x2  }
0xb8: {  	s31 =	sshll.u32 s1, $0xD;
	s1 =	sshrl.u32 s1, $0x2  }
0xb9: {  	s3 =	sand.u32 $0x4000, s31;
	s1 =	sadd.s32 s1, s30  }
0xba: {  	s0 =	sor.u32 s3, s0;
	s1 =	sshll.u32 s1, $0x11  }
0xbb: {  	s0 =	sor.u32 s1, s0  }
0xbc: {  	s0 =	sadd.s32 $0x8F2B, s0  }
0xbd: {  	[sflag:s0] =	ssyncadd.remote.s32 $0x1  }
0xbe: {  	_ =	sfence.sel $0xFFFF  }
0xbf: {  	[dreg:$0x0] =	wrdreg $0xFFFFFFFF;
	(pc) =	sbr.abs _section_cstart, $3  }
0xc0: {  	[dreg:$0x1] =	wrdreg $0xFFFFFFFF  }
0xc1: {  	_ =	task.clear_ibuf [dreg:s7], $0x2FFFF;
	_ =	strace $0x9FFFFFFF  }
0xc2: {  	(tm) =	ssettm $0x7FFFFFFF  }
0xc3: {  	_ =	shalt  }
tec
execute0_lowered:
.L_overlay_start_1:
0x0: {  	(tag) =	ssettag $0x1  }
0x1: {  	s0 =	srdreg.scid;
	s2 =	rddreg [dreg:$0x0]  }
0x2: {  	s1 =	stileid.u32;
	s10 =	rddreg [dreg:$0x1];
	s4 =	simm.s32 $0x0  }
0x3: {  	s16 =	simm.s32 $0x7;
	s14 =	simm.s32 $0xA000;
	s28 =	simm.s32 $0x4  }
0x4: {  	s30 =	simm.s32 $0x6;
	s19 =	simm.s32 $0x400;
	s29 =	simm.s32 $0x1400  }
0x5: {  	s13 =	simm.s32 $0x1800;
	s31 =	simm.s32 $0x2400;
	s0 =	sand.u32 $0x1, s0  }
0x6: {  	s1 =	sshll.u32 s1, $0x1;
	[smem:$0x7FF] =	sst s4;
	s9 =	sadd.s32 $0x2000, s2  }
0x7: {  	s11 =	sadd.s32 $0x1E00, s2;
	_ =	strace $0x80000047;
	[dreg:$0x3] =	wrdreg s9  }
0x8: {  	s22 =	sadd.s32 $0x1C00, s2;
	s25 =	sadd.s32 $0x3E800, s10;
	[dreg:$0x4] =	wrdreg s11  }
0x9: {  	s1 =	sor.u32 s0, s1;
	s0 =	ssub.s32 $0x2, s0;
	[dreg:$0x6] =	wrdreg s22  }
0xa: {  	s11 =	sadd.s32 $0xBC9600, s2;
	[dreg:$0x8] =	wrdreg s25;
	s3 =	smul.u32 $0x18, s1  }
0xb: {  	s22 =	simm.s32 $0xF000;
	s25 =	simm.s32 $0x3;
	s23 =	sshrl.u32 s0, $0x1  }
0xc: {  	p0 =	sne.s32 s1, $0x0;
	s1 =	simm.s32 $0x0;
	s5 =	sshrl.u32 s3, $0x4  }
0xd: {  	s0 =	ssub.s32 s0, s23;
	s23 =	simm.s32 $0x5000;
	s6 =	sand.u32 $0x3E, s5  }
0xe: {  	s7 =	sand.u32 $0x18, s3;
	s5 =	sadd.s32 $0x3EF400, s2;
	s8 =	smul.u32 $0x2800, s6  }
0xf: {  	s0 =	smax.u32 s0, $0x1;
	s20 =	smul.u32 $0x1F6800, s7;
	s7 =	sshll.u32 s7, $0x9  }
.Ltmp0:
0x10: {  	[dreg:$0x9] =	wrdreg s0;
	s21 =	sadd.s32 $0x17C000, s8;
	(pc) =	sbr.rel .LBB2_1-.Ltmp0, $4  }
0x11: {  	s6 =	sadd.s32 $0x2400, s2;
	s26 =	sshrl.u32 s7, $0x2;
	s9 =	sadd.s32 s20, s21  }
0x12: {  	[dreg:$0xa] =	wrdreg s26;
	s26 =	simm.s32 $0x2;
	s24 =	sshrl.u32 s9, $0x3  }
0x13: {  	[dreg:$0x5] =	wrdreg s21;
	s21 =	simm.s32 $0x2000;
	s2 =	sadd.s32 s5, s24  }
0x14: {  	s24 =	simm.s32 $0x1;
	[dreg:$0x7] =	wrdreg s2;
	s2 =	simm.s32 $0x1C00  }
.LBB2_23:
0x15: {  	s1 =	rddreg [dreg:$0xb]  }
0x16: {  	s0 =	rddreg [dreg:$0x9];
	s1 =	sadd.s32 $0x1, s1  }
0x17: {  	p1 =	sne.s32 s1, s0  }
.Ltmp1:
0x18: {  	_ = 	snop;
	(pc) =	sbr.rel @!p1 .LBB2_24-.Ltmp1, $1  }
0x19: {  	_ =	sdelay $0x3  }
.LBB2_1:
0x1a: {  	[dreg:$0xb] =	wrdreg s1  }
0x1b: {  	s0 =	rddreg [dreg:$0x3];
	s7 =	simm.s32 $0x19000  }
0x1c: {  	[tilespmem:s7], [sflag:$0x7] =	stream.linear.gather [hbm4b:s0+s4], $0x1000, $0x38;
	[tilespmem:$0x1B080] =	vst v63  }
0x1d: {  	_ =	swait.ge [sflag:s16], $0x1000  }
0x1e: {  	[sflag:s16] =	ssyncset.done $0x0  }
0x1f: {  	s9 =	simm.s32 $0x1A000;
	s8 =	rddreg [dreg:$0x4];
	[sflag:s16] =	ssyncadd.s32 $0xFFFFF000  }
0x20: {  	[tilespmem:s9], [sflag:$0x7] =	stream.linear.gather [hbm4b:s8+s4], $0x1000, $0x38;
	[tilespmem:$0x1B080] =	vst v63  }
0x21: {  	_ =	swait.ge [sflag:s16], $0x1000  }
0x22: {  	[sflag:s16] =	ssyncset.done $0x0  }
0x23: {  	s12 =	simm.s32 $0x1B000;
	s10 =	rddreg [dreg:$0x6];
	[sflag:s16] =	ssyncadd.s32 $0xFFFFF000  }
0x24: {  	[tilespmem:s12], [sflag:$0x7] =	stream.linear.gather [hbm4b:s10+s4], $0x80, $0x38;
	[tilespmem:$0x1B080] =	vst v63  }
0x25: {  	_ =	swait.ge [sflag:s16], $0x80  }
0x26: {  	[sflag:s16] =	ssyncset.done $0x0  }
0x27: {  	s15 =	rddreg [dreg:$0xa];
	[sflag:s16] =	ssyncadd.s32 $0xFFFFFF80  }
0x28: {  	v0 =	vld [tilespmem:s15+$0x19000];
	_ =	sdelay $0x4  }
0x29: {  	(v2sf) =	vpush v0, $0x0;
	_ =	sdelay $0xe  }
0x2a: {  	s17 =	spop (v2sf)  }
0x2b: {  	s0 =	smul.u32 $0x1F6800, s17  }
0x2c: {  	s18 =	rddreg [dreg:$0x5]  }
0x2d: {  	s0 =	sadd.s32 s18, s0  }
0x2e: {  	s0 =	sshrl.u32 s0, $0x3  }
0x2f: {  	s0 =	sadd.s32 s6, s0  }
0x30: {  	v0 =	vld [tilespmem:$0x1B000];
	[tilespmem:s14], [sflag:$0x3] =	stream.linear.gather [hbm4b:s0+s4], $0x5000, $0x38  }
0x31: {  	s20 =	rddreg [dreg:$0x7];
	s0 =	simm.s32 $0x0  }
0x32: {  	[tilespmem:s4], [sflag:$0x1] =	stream.linear.gather [hbm4b:s20+s4], $0x5000, $0x38;
	[tilespmem:$0x1B080] =	vst v63  }
.LBB2_2:
0x33: {  	s1 =	sshll.u32 s0, $0x1  }
0x34: {  	s18 =	sadd.s32 s3, s1  }
0x35: {  	p1 =	seq.s32 s0, $0x0;
	s7 =	sand.u32 $0x1E, s18  }
0x36: {  	p2 =	sne.s32 @!p1 s7, $0x0  }
0x37: {  	p2 =	por p1, !p2  }
.Ltmp2:
0x38: {  	_ = 	snop;
	(pc) =	sbr.rel @!p2 .LBB2_8-.Ltmp2, $4  }
0x39: {  	s1 =	sshrl.u32 s18, $0x1  }
0x3a: {  	s1 =	sand.u32 $0x3FFFFFF0, s1  }
0x3b: {  	s15 =	sshrl.u32 s1, $0x3  }
0x3c: {  	s1 =	sadd.s32 $0x98, s15  }
0x3d: {  	s8 =	smul.u32 $0x500, s1  }
0x3e: {  	s9 =	rddreg [dreg:$0x1]  }
0x3f: {  	s10 =	simm.s32 $0x14000;
	s9 =	sadd.s32 s9, s8;
	s8 =	simm.s32 $0x0  }
0x40: {  	[tilespmem:s10], [sflag:$0x7] =	stream.linear.gather [hbm4b:s9+s8], $0x5000, $0x38;
	[tilespmem:$0x1B080] =	vst v63  }
0x41: {  	_ =	swait.ge [sflag:s16], $0x5000  }
0x42: {  	[sflag:s16] =	ssyncset.done $0x0  }
0x43: {  	s10 =	simm.s32 $0x0;
	[sflag:s16] =	ssyncadd.s32 $0xFFFFB000  }
.LBB2_4:
0x44: {  	s9 =	sshrl.u32 s10, $0x3  }
0x45: {  	s9 =	smul.u32 $0xA000, s9  }
0x46: {  	s12 =	sshll.u32 s10, $0x7  }
0x47: {  	s12 =	sand.u32 $0x380, s12;
	s9 =	sshra.s32 s9, $0x2  }
0x48: {  	s9 =	sor.u32 s12, s9  }
0x49: {  	s20 =	sand.u32 $0x3C00, s8;
	s12 =	sadd.s32 $0x14000, s9  }
0x4a: {  	s14 =	sand.u32 $0x70, s8;
	s9 =	sadd.s32 s20, s12  }
0x4b: {  	s17 =	sadd.s32 s14, s9  }
0x4c: {  	v1 =	vld [tilespmem:s17+$0x0];
	_ =	sdelay $0x3  }
0x4d: {  	s20 =	simm.s32 $0x80  }
0x4e: {  	s19 =	simm.s32 $0x10;
	s9 =	sand.u32 $0x3C00, s20;
	s14 =	simm.s32 $0x20;
	v1 =	vmul.f32 v1, v0  }
.LBB2_5:
0x4f: {  	p2 =	sne.s32 s14, $0x4F0;
	s19 =	sand.u32 $0x70, s19;
	s9 =	sadd.s32 s9, s12  }
0x50: {  	[tilespmem:s17+$0x0] =	vst v1;
	s17 =	sadd.s32 s19, s9;
	s19 =	smov.u32 s14  }
0x51: {  	v1 =	vld [tilespmem:s17+$0x0]  }
.Ltmp3:
0x52: {  	(pc) =	sbr.rel @p2 .LBB2_5-.Ltmp3, $3  }
0x53: {  	_ =	sdelay $0x1  }
0x54: {  	s20 =	sadd.s32 $0x80, s20  }
0x55: {  	s9 =	sand.u32 $0x3C00, s20;
	s14 =	sadd.s32 $0x10, s14;
	v1 =	vmul.f32 v1, v0  }
0x56: {  	s14 =	sand.u32 $0x70, s19;
	s9 =	sadd.s32 s9, s12  }
0x57: {  	s9 =	sadd.s32 s14, s9;
	[tilespmem:s17+$0x0] =	vst v1  }
0x58: {  	v1 =	vld [tilespmem:s9+$0x0]  }
0x59: {  	s10 =	sadd.s32 $0x1, s10  }
0x5a: {  	p2 =	sne.s32 s10, $0x10  }
.Ltmp4:
0x5b: {  	_ = 	snop;
	(pc) =	sbr.rel @p2 .LBB2_4-.Ltmp4, $3  }
0x5c: {  	_ = 	snop  }
0x5d: {  	v1 =	vmul.f32 v1, v0;
	_ =	sdelay $0x1  }
0x5e: {  	[tilespmem:s9+$0x0] =	vst v1  }
.Ltmp5:
0x5f: {  	(pc) =	sbr.rel @p1 .LBB2_9-.Ltmp5, $2  }
0x60: {  	_ =	sdelay $0x2  }
0x61: {  	s19 =	simm.s32 $0x400  }
.LBB2_8:
0x62: {  	_ =	swait.ge [sflag:s30], $0x5000  }
0x63: {  	[sflag:s30] =	ssyncset.done $0x0  }
0x64: {  	[sflag:s30] =	ssyncadd.s32 $0xFFFFB000  }
.LBB2_9:
0x65: {  	s17 =	sor.u32 $0x1, s7  }
0x66: {  	s8 =	sshll.u32 s17, $0x7  }
0x67: {  	v1 =	vld [tilespmem:s8+$0x19000];
	_ =	sdelay $0x4  }
0x68: {  	(v2sf) =	vpush v1, $0x0;
	_ =	sdelay $0xe  }
0x69: {  	s1 =	smul.u32 $0x2800, s1;
	s9 =	spop (v2sf)  }
0x6a: {  	s9 =	smul.u32 $0x1F6800, s9  }
0x6b: {  	s12 =	smul.u32 $0x1F6800, s17  }
0x6c: {  	s9 =	sadd.s32 s1, s9  }
0x6d: {  	s1 =	sadd.s32 s12, s1;
	s9 =	sshrl.u32 s9, $0x3  }
0x6e: {  	s10 =	simm.s32 $0x0;
	s1 =	sshrl.u32 s1, $0x3;
	s9 =	sadd.s32 s6, s9  }
0x6f: {  	[tilespmem:s22], [sflag:$0x4] =	stream.linear.gather [hbm4b:s9+s10], $0x5000, $0x38;
	[tilespmem:$0x1B080] =	vst v63  }
0x70: {  	s1 =	sadd.s32 s5, s1  }
0x71: {  	[tilespmem:s23], [sflag:$0x2] =	stream.linear.gather [hbm4b:s1+s10], $0x5000, $0x38;
	[tilespmem:$0x1B080] =	vst v63  }
0x72: {  	_ =	swait.ge [sflag:s24], $0x5000  }
0x73: {  	[sflag:s24] =	ssyncset.done $0x0  }
0x74: {  	[sflag:s24] =	ssyncadd.s32 $0xFFFFB000  }
0x75: {  	_ =	swait.ge [sflag:s25], $0x5000  }
0x76: {  	[sflag:s25] =	ssyncset.done $0x0  }
0x77: {  	s20 =	sshll.u32 s7, $0x7;
	[sflag:s25] =	ssyncadd.s32 $0xFFFFB000  }
0x78: {  	v1 =	vld [tilespmem:s20+$0x1A000];
	s20 =	simm.s32 $0x0  }
.LBB2_10:
0x79: {  	s1 =	sshrl.u32 s20, $0x3  }
0x7a: {  	s9 =	sand.u32 $0x7, s10;
	s1 =	smul.u32 $0xA000, s1  }
0x7b: {  	s9 =	sshll.u32 s9, $0x9  }
0x7c: {  	s1 =	sor.u32 s9, s1  }
0x7d: {  	s1 =	sshra.s32 s1, $0x2  }
0x7e: {  	s14 =	sor.u32 $0x40, s1  }
0x7f: {  	s12 =	sadd.s32 $0xA070, s1;
	v2 =	vmov s14  }
0x80: {  	s1 =	sadd.s32 $0x14040, s1;
	v4 =	vmov s12  }
0x81: {  	v3 =	vmov s1;
	_ =	sdelay $0x1  }
0x82: {  	s1 =	simm.s32 $0x0  }
0x83: {  	v5 =	vld.idx.msk [tilespmem:v2+s1+$0xFFFFFFC0 ss:$0x1], $0xffff  }
0x84: {  	v6 =	vld.idx.msk [tilespmem:v4+s1+$0xFFFFFF90 ss:$0x1], $0xffff  }
0x85: {  	v7 =	vld.idx.msk [tilespmem:v3+s1+$0xFFFFFFC0 ss:$0x1], $0xffff;
	_ =	sdelay $0x4  }
0x86: {  	v5 =	vadd.f32 v7, v5;
	v6 =	vmul.f32 v6, v1;
	_ =	sdelay $0x1  }
0x87: {  	v5 =	vadd.f32 v6, v5;
	_ =	sdelay $0x1  }
0x88: {  	[tilespmem:v2+s1+$0xFFFFFFC0 ss:$0x1] =	vst.idx.msk $0xffff, v5  }
0x89: {  	v5 =	vld.idx.msk [tilespmem:v2+s1+$0xFFFFFFD0 ss:$0x1], $0xffff  }
0x8a: {  	v6 =	vld.idx.msk [tilespmem:v3+s1+$0xFFFFFFD0 ss:$0x1], $0xffff  }
0x8b: {  	v7 =	vld.idx.msk [tilespmem:v4+s1+$0xFFFFFFA0 ss:$0x1], $0xffff;
	_ =	sdelay $0x4  }
0x8c: {  	v5 =	vadd.f32 v6, v5;
	v6 =	vmul.f32 v7, v1;
	_ =	sdelay $0x1  }
0x8d: {  	v5 =	vadd.f32 v6, v5;
	_ =	sdelay $0x1  }
0x8e: {  	[tilespmem:v2+s1+$0xFFFFFFD0 ss:$0x1] =	vst.idx.msk $0xffff, v5  }
0x8f: {  	v5 =	vld.idx.msk [tilespmem:v3+s1+$0xFFFFFFE0 ss:$0x1], $0xffff  }
0x90: {  	v6 =	vld.idx.msk [tilespmem:v2+s1+$0xFFFFFFE0 ss:$0x1], $0xffff  }
0x91: {  	v7 =	vld.idx.msk [tilespmem:v4+s1+$0xFFFFFFB0 ss:$0x1], $0xffff;
	_ =	sdelay $0x4  }
0x92: {  	v5 =	vadd.f32 v5, v6;
	v6 =	vmul.f32 v7, v1;
	_ =	sdelay $0x1  }
0x93: {  	v5 =	vadd.f32 v6, v5;
	_ =	sdelay $0x1  }
0x94: {  	[tilespmem:v2+s1+$0xFFFFFFE0 ss:$0x1] =	vst.idx.msk $0xffff, v5  }
0x95: {  	v5 =	vld.idx.msk [tilespmem:v2+s1+$0xFFFFFFF0 ss:$0x1], $0xffff  }
0x96: {  	v6 =	vld.idx.msk [tilespmem:v3+s1+$0xFFFFFFF0 ss:$0x1], $0xffff  }
0x97: {  	v7 =	vld.idx.msk [tilespmem:v4+s1+$0xFFFFFFC0 ss:$0x1], $0xffff;
	_ =	sdelay $0x4  }
0x98: {  	v5 =	vadd.f32 v6, v5;
	v6 =	vmul.f32 v7, v1;
	_ =	sdelay $0x1  }
0x99: {  	v5 =	vadd.f32 v6, v5;
	_ =	sdelay $0x1  }
0x9a: {  	[tilespmem:v2+s1+$0xFFFFFFF0 ss:$0x1] =	vst.idx.msk $0xffff, v5  }
0x9b: {  	v5 =	vld.idx.msk [tilespmem:v4+s1+$0xFFFFFFD0 ss:$0x1], $0xffff  }
0x9c: {  	v6 =	vld.idx.msk [tilespmem:v2+s1+$0x0 ss:$0x1], $0xffff  }
0x9d: {  	v7 =	vld.idx.msk [tilespmem:v3+s1+$0x0 ss:$0x1], $0xffff;
	_ =	sdelay $0x4  }
0x9e: {  	v5 =	vmul.f32 v5, v1;
	v6 =	vadd.f32 v7, v6;
	_ =	sdelay $0x1  }
0x9f: {  	v5 =	vadd.f32 v5, v6;
	_ =	sdelay $0x1  }
0xa0: {  	[tilespmem:v2+s1+$0x0 ss:$0x1] =	vst.idx.msk $0xffff, v5  }
0xa1: {  	v5 =	vld.idx.msk [tilespmem:v2+s1+$0x10 ss:$0x1], $0xffff  }
0xa2: {  	v6 =	vld.idx.msk [tilespmem:v3+s1+$0x10 ss:$0x1], $0xffff  }
0xa3: {  	v7 =	vld.idx.msk [tilespmem:v4+s1+$0xFFFFFFE0 ss:$0x1], $0xffff;
	_ =	sdelay $0x4  }
0xa4: {  	v5 =	vadd.f32 v6, v5;
	v6 =	vmul.f32 v7, v1;
	_ =	sdelay $0x1  }
0xa5: {  	v5 =	vadd.f32 v6, v5;
	_ =	sdelay $0x1  }
0xa6: {  	[tilespmem:v2+s1+$0x10 ss:$0x1] =	vst.idx.msk $0xffff, v5  }
0xa7: {  	v5 =	vld.idx.msk [tilespmem:v4+s1+$0xFFFFFFF0 ss:$0x1], $0xffff  }
0xa8: {  	v6 =	vld.idx.msk [tilespmem:v2+s1+$0x20 ss:$0x1], $0xffff  }
0xa9: {  	v7 =	vld.idx.msk [tilespmem:v3+s1+$0x20 ss:$0x1], $0xffff;
	_ =	sdelay $0x4  }
0xaa: {  	s12 =	simm.s32 $0x1000;
	v5 =	vmul.f32 v5, v1;
	v6 =	vadd.f32 v7, v6  }
.LBB2_11:
0xab: {  	p1 =	sne.s32 s12, $0x9000;
	s9 =	smov.u32 s12;
	s12 =	sadd.s32 $0x1000, s12  }
0xac: {  	v5 =	vadd.f32 v5, v6;
	_ =	sdelay $0x1  }
0xad: {  	[tilespmem:v2+s1+$0x20 ss:$0x1] =	vst.idx.msk $0xffff, v5  }
0xae: {  	v5 =	vld.idx.msk [tilespmem:v2+s1+$0x30 ss:$0x1], $0xffff  }
0xaf: {  	v6 =	vld.idx.msk [tilespmem:v4+s1+$0x0 ss:$0x1], $0xffff  }
0xb0: {  	v7 =	vld.idx.msk [tilespmem:v3+s1+$0x30 ss:$0x1], $0xffff;
	_ =	sdelay $0x4  }
0xb1: {  	v6 =	vmul.f32 v6, v1  }
0xb2: {  	v5 =	vadd.f32 v7, v5;
	_ =	sdelay $0x1  }
0xb3: {  	v5 =	vadd.f32 v6, v5  }
0xb4: {  	s9 =	sshra.s32 s9, $0x2  }
0xb5: {  	v6 =	vld.idx.msk [tilespmem:v2+s9+$0xFFFFFFC0 ss:$0x1], $0xffff;
	[tilespmem:v2+s1+$0x30 ss:$0x1] =	vst.idx.msk $0xffff, v5;
	s1 =	smov.u32 s9  }
0xb6: {  	v5 =	vld.idx.msk [tilespmem:v4+s1+$0xFFFFFF90 ss:$0x1], $0xffff  }
0xb7: {  	v7 =	vld.idx.msk [tilespmem:v3+s1+$0xFFFFFFC0 ss:$0x1], $0xffff;
	_ =	sdelay $0x5  }
0xb8: {  	v5 =	vmul.f32 v5, v1;
	v6 =	vadd.f32 v7, v6;
	_ =	sdelay $0x1  }
0xb9: {  	v5 =	vadd.f32 v5, v6;
	_ =	sdelay $0x1  }
0xba: {  	[tilespmem:v2+s1+$0xFFFFFFC0 ss:$0x1] =	vst.idx.msk $0xffff, v5  }
0xbb: {  	v5 =	vld.idx.msk [tilespmem:v2+s1+$0xFFFFFFD0 ss:$0x1], $0xffff  }
0xbc: {  	v6 =	vld.idx.msk [tilespmem:v3+s1+$0xFFFFFFD0 ss:$0x1], $0xffff  }
0xbd: {  	v7 =	vld.idx.msk [tilespmem:v4+s1+$0xFFFFFFA0 ss:$0x1], $0xffff;
	_ =	sdelay $0x4  }
0xbe: {  	v5 =	vadd.f32 v6, v5  }
0xbf: {  	v6 =	vmul.f32 v7, v1;
	_ =	sdelay $0x1  }
0xc0: {  	v5 =	vadd.f32 v6, v5;
	_ =	sdelay $0x1  }
0xc1: {  	[tilespmem:v2+s1+$0xFFFFFFD0 ss:$0x1] =	vst.idx.msk $0xffff, v5  }
0xc2: {  	v5 =	vld.idx.msk [tilespmem:v3+s1+$0xFFFFFFE0 ss:$0x1], $0xffff  }
0xc3: {  	v6 =	vld.idx.msk [tilespmem:v2+s1+$0xFFFFFFE0 ss:$0x1], $0xffff  }
0xc4: {  	v7 =	vld.idx.msk [tilespmem:v4+s1+$0xFFFFFFB0 ss:$0x1], $0xffff;
	_ =	sdelay $0x4  }
0xc5: {  	v5 =	vadd.f32 v5, v6  }
0xc6: {  	v6 =	vmul.f32 v7, v1;
	_ =	sdelay $0x1  }
0xc7: {  	v5 =	vadd.f32 v6, v5;
	_ =	sdelay $0x1  }
0xc8: {  	[tilespmem:v2+s1+$0xFFFFFFE0 ss:$0x1] =	vst.idx.msk $0xffff, v5  }
0xc9: {  	v5 =	vld.idx.msk [tilespmem:v2+s1+$0xFFFFFFF0 ss:$0x1], $0xffff  }
0xca: {  	v6 =	vld.idx.msk [tilespmem:v3+s1+$0xFFFFFFF0 ss:$0x1], $0xffff  }
0xcb: {  	v7 =	vld.idx.msk [tilespmem:v4+s1+$0xFFFFFFC0 ss:$0x1], $0xffff;
	_ =	sdelay $0x4  }
0xcc: {  	v5 =	vadd.f32 v6, v5  }
0xcd: {  	v6 =	vmul.f32 v7, v1;
	_ =	sdelay $0x1  }
0xce: {  	v5 =	vadd.f32 v6, v5;
	_ =	sdelay $0x1  }
0xcf: {  	[tilespmem:v2+s1+$0xFFFFFFF0 ss:$0x1] =	vst.idx.msk $0xffff, v5  }
0xd0: {  	v5 =	vld.idx.msk [tilespmem:v4+s1+$0xFFFFFFD0 ss:$0x1], $0xffff  }
0xd1: {  	v6 =	vld.idx.msk [tilespmem:v2+s1+$0x0 ss:$0x1], $0xffff  }
0xd2: {  	v7 =	vld.idx.msk [tilespmem:v3+s1+$0x0 ss:$0x1], $0xffff;
	_ =	sdelay $0x3  }
0xd3: {  	v5 =	vmul.f32 v5, v1;
	_ =	sdelay $0x1  }
0xd4: {  	v6 =	vadd.f32 v7, v6;
	_ =	sdelay $0x1  }
0xd5: {  	v5 =	vadd.f32 v5, v6;
	_ =	sdelay $0x1  }
0xd6: {  	[tilespmem:v2+s1+$0x0 ss:$0x1] =	vst.idx.msk $0xffff, v5  }
0xd7: {  	v5 =	vld.idx.msk [tilespmem:v2+s1+$0x10 ss:$0x1], $0xffff  }
0xd8: {  	v6 =	vld.idx.msk [tilespmem:v3+s1+$0x10 ss:$0x1], $0xffff  }
0xd9: {  	v7 =	vld.idx.msk [tilespmem:v4+s1+$0xFFFFFFE0 ss:$0x1], $0xffff;
	_ =	sdelay $0x4  }
0xda: {  	v5 =	vadd.f32 v6, v5  }
0xdb: {  	v6 =	vmul.f32 v7, v1;
	_ =	sdelay $0x1  }
0xdc: {  	v5 =	vadd.f32 v6, v5;
	_ =	sdelay $0x1  }
0xdd: {  	[tilespmem:v2+s1+$0x10 ss:$0x1] =	vst.idx.msk $0xffff, v5  }
0xde: {  	v5 =	vld.idx.msk [tilespmem:v4+s1+$0xFFFFFFF0 ss:$0x1], $0xffff  }
0xdf: {  	v6 =	vld.idx.msk [tilespmem:v2+s1+$0x20 ss:$0x1], $0xffff  }
0xe0: {  	v7 =	vld.idx.msk [tilespmem:v3+s1+$0x20 ss:$0x1], $0xffff;
	_ =	sdelay $0x1  }
.Ltmp6:
0xe1: {  	(pc) =	sbr.rel @p1 .LBB2_11-.Ltmp6, $3  }
0xe2: {  	_ = 	snop  }
0xe3: {  	v5 =	vmul.f32 v5, v1;
	_ =	sdelay $0x1  }
0xe4: {  	v6 =	vadd.f32 v7, v6  }
0xe5: {  	_ =	sdelay $0x1  }
0xe6: {  	v5 =	vadd.f32 v5, v6;
	_ =	sdelay $0x1  }
0xe7: {  	[tilespmem:v2+s1+$0x20 ss:$0x1] =	vst.idx.msk $0xffff, v5  }
0xe8: {  	v5 =	vld.idx.msk [tilespmem:v2+s1+$0x30 ss:$0x1], $0xffff  }
0xe9: {  	v4 =	vld.idx.msk [tilespmem:v4+s1+$0x0 ss:$0x1], $0xffff  }
0xea: {  	v3 =	vld.idx.msk [tilespmem:v3+s1+$0x30 ss:$0x1], $0xffff;
	_ =	sdelay $0x2  }
0xeb: {  	s20 =	sadd.s32 $0x1, s20  }
0xec: {  	p1 =	sne.s32 s20, $0x10  }
.Ltmp7:
0xed: {  	v4 =	vmul.f32 v4, v1;
	v3 =	vadd.f32 v3, v5;
	(pc) =	sbr.rel @p1 .LBB2_10-.Ltmp7, $3  }
0xee: {  	_ = 	snop  }
0xef: {  	v3 =	vadd.f32 v4, v3;
	_ =	sdelay $0x1  }
0xf0: {  	s10 =	sadd.s32 $0x1, s10;
	[tilespmem:v2+s1+$0x30 ss:$0x1] =	vst.idx.msk $0xffff, v3  }
0xf1: {  	s1 =	sshrl.u32 s18, $0x4  }
0xf2: {  	s7 =	smul.u32 $0x7A800, s7;
	s1 =	sand.u32 $0x1FFFFE, s1  }
0xf3: {  	s1 =	smul.u32 $0x2800, s1;
	_ =	sdelay $0x1  }
0xf4: {  	s1 =	sadd.s32 s7, s1  }
0xf5: {  	s1 =	sshrl.u32 s1, $0x3  }
0xf6: {  	p1 =	seq.s32 s0, $0xB;
	s1 =	sadd.s32 s11, s1  }
0xf7: {  	[hbm4b:s1+s4] =	stream.linear.scatter [tilespmem:s4], [sflag:$0x5], $0x5000, $0x38;
	[tilespmem:$0x1B080] =	vst v63  }
0xf8: {  	s1 =	simm.s32 @!p1 $0x5  }
0xf9: {  	s7 =	sadd.s32 @!p1 $0x2, s18;
	_ =	swait.ge @!p1 [sflag:s1], $0x5000  }
0xfa: {  	s9 =	sand.u32 @!p1 $0x1E, s7;
	[sflag:s1] =	ssyncset.done @!p1 $0x0  }
0xfb: {  	[sflag:s1] =	ssyncadd.s32 @!p1 $0xFFFFB000;
	s1 =	sshll.u32 @!p1 s9, $0x7  }
0xfc: {  	v1 =	vld @!p1 [tilespmem:s1+$0x19000];
	_ =	sdelay $0x4  }
0xfd: {  	(v2sf) =	vpush @!p1 v1, $0x0;
	_ =	sdelay $0xa  }
0xfe: {  	s1 =	sshrl.u32 @!p1 s7, $0x1  }
0xff: {  	s1 =	sand.u32 @!p1 $0xFFFFF0, s1  }
0x100: {  	s1 =	sadd.s32 @!p1 $0x4C0, s1  }
0x101: {  	s1 =	sshrl.u32 @!p1 s1, $0x3  }
0x102: {  	s1 =	smul.u32 @!p1 $0x2800, s1;
	s7 =	spop @!p1 (v2sf)  }
0x103: {  	s7 =	smul.u32 @!p1 $0x1F6800, s7  }
0x104: {  	s9 =	smul.u32 @!p1 $0x1F6800, s9  }
0x105: {  	s7 =	sadd.s32 @!p1 s1, s7  }
0x106: {  	s10 =	simm.s32 @!p1 $0x0;
	s1 =	sadd.s32 @!p1 s9, s1;
	s7 =	sshrl.u32 @!p1 s7, $0x3  }
0x107: {  	s12 =	simm.s32 @!p1 $0xA000;
	s1 =	sshrl.u32 @!p1 s1, $0x3;
	s7 =	sadd.s32 @!p1 s6, s7  }
0x108: {  	[tilespmem:s12], [sflag:$0x3] =	stream.linear.gather @!p1 [hbm4b:s7+s10], $0x5000, $0x38;
	[tilespmem:$0x1B080] =	vst v63  }
0x109: {  	s1 =	sadd.s32 @!p1 s5, s1  }
0x10a: {  	[tilespmem:s10], [sflag:$0x1] =	stream.linear.gather @!p1 [hbm4b:s1+s10], $0x5000, $0x38;
	[tilespmem:$0x1B080] =	vst v63  }
0x10b: {  	_ =	swait.ge [sflag:s26], $0x5000  }
0x10c: {  	[sflag:s26] =	ssyncset.done $0x0  }
0x10d: {  	[sflag:s26] =	ssyncadd.s32 $0xFFFFB000  }
0x10e: {  	_ =	swait.ge [sflag:s28], $0x5000  }
0x10f: {  	[sflag:s28] =	ssyncset.done $0x0  }
0x110: {  	s20 =	simm.s32 $0xC00;
	s18 =	simm.s32 $0x800;
	[sflag:s28] =	ssyncadd.s32 $0xFFFFB000  }
0x111: {  	s7 =	simm.s32 $0x0;
	s12 =	simm.s32 $0x1000;
	v1 =	vld [tilespmem:s8+$0x1A000];
	s8 =	simm.s32 $0x0  }
.LBB2_14:
0x112: {  	s1 =	sshrl.u32 s8, $0x3  }
0x113: {  	s9 =	sand.u32 $0x7, s7;
	s1 =	smul.u32 $0xA000, s1  }
0x114: {  	s9 =	sshll.u32 s9, $0x9  }
0x115: {  	s1 =	sor.u32 s9, s1  }
0x116: {  	s1 =	sshra.s32 s1, $0x2  }
0x117: {  	s14 =	sadd.s32 $0x5040, s1  }
0x118: {  	s10 =	sadd.s32 $0xF070, s1;
	v2 =	vmov s14  }
0x119: {  	s1 =	sadd.s32 $0x14040, s1;
	v4 =	vmov s10  }
0x11a: {  	v3 =	vmov s1;
	_ =	sdelay $0x1  }
0x11b: {  	s1 =	simm.s32 $0x0  }
0x11c: {  	v5 =	vld.idx.msk [tilespmem:v2+s1+$0xFFFFFFC0 ss:$0x1], $0xffff  }
0x11d: {  	v6 =	vld.idx.msk [tilespmem:v4+s1+$0xFFFFFF90 ss:$0x1], $0xffff  }
0x11e: {  	v7 =	vld.idx.msk [tilespmem:v3+s1+$0xFFFFFFC0 ss:$0x1], $0xffff;
	_ =	sdelay $0x4  }
0x11f: {  	v5 =	vadd.f32 v7, v5;
	v6 =	vmul.f32 v6, v1;
	_ =	sdelay $0x1  }
0x120: {  	v5 =	vadd.f32 v6, v5;
	_ =	sdelay $0x1  }
0x121: {  	[tilespmem:v2+s1+$0xFFFFFFC0 ss:$0x1] =	vst.idx.msk $0xffff, v5  }
0x122: {  	v5 =	vld.idx.msk [tilespmem:v2+s1+$0xFFFFFFD0 ss:$0x1], $0xffff  }
0x123: {  	v6 =	vld.idx.msk [tilespmem:v3+s1+$0xFFFFFFD0 ss:$0x1], $0xffff  }
0x124: {  	v7 =	vld.idx.msk [tilespmem:v4+s1+$0xFFFFFFA0 ss:$0x1], $0xffff;
	_ =	sdelay $0x4  }
0x125: {  	v5 =	vadd.f32 v6, v5;
	v6 =	vmul.f32 v7, v1;
	_ =	sdelay $0x1  }
0x126: {  	v5 =	vadd.f32 v6, v5;
	_ =	sdelay $0x1  }
0x127: {  	[tilespmem:v2+s1+$0xFFFFFFD0 ss:$0x1] =	vst.idx.msk $0xffff, v5  }
0x128: {  	v5 =	vld.idx.msk [tilespmem:v3+s1+$0xFFFFFFE0 ss:$0x1], $0xffff  }
0x129: {  	v6 =	vld.idx.msk [tilespmem:v2+s1+$0xFFFFFFE0 ss:$0x1], $0xffff  }
0x12a: {  	v7 =	vld.idx.msk [tilespmem:v4+s1+$0xFFFFFFB0 ss:$0x1], $0xffff;
	_ =	sdelay $0x4  }
0x12b: {  	v5 =	vadd.f32 v5, v6;
	v6 =	vmul.f32 v7, v1;
	_ =	sdelay $0x1  }
0x12c: {  	v5 =	vadd.f32 v6, v5;
	_ =	sdelay $0x1  }
0x12d: {  	[tilespmem:v2+s1+$0xFFFFFFE0 ss:$0x1] =	vst.idx.msk $0xffff, v5  }
0x12e: {  	v5 =	vld.idx.msk [tilespmem:v2+s1+$0xFFFFFFF0 ss:$0x1], $0xffff  }
0x12f: {  	v6 =	vld.idx.msk [tilespmem:v3+s1+$0xFFFFFFF0 ss:$0x1], $0xffff  }
0x130: {  	v7 =	vld.idx.msk [tilespmem:v4+s1+$0xFFFFFFC0 ss:$0x1], $0xffff;
	_ =	sdelay $0x4  }
0x131: {  	v5 =	vadd.f32 v6, v5;
	v6 =	vmul.f32 v7, v1;
	_ =	sdelay $0x1  }
0x132: {  	v5 =	vadd.f32 v6, v5;
	_ =	sdelay $0x1  }
0x133: {  	[tilespmem:v2+s1+$0xFFFFFFF0 ss:$0x1] =	vst.idx.msk $0xffff, v5  }
0x134: {  	v5 =	vld.idx.msk [tilespmem:v4+s1+$0xFFFFFFD0 ss:$0x1], $0xffff  }
0x135: {  	v6 =	vld.idx.msk [tilespmem:v2+s1+$0x0 ss:$0x1], $0xffff  }
0x136: {  	v7 =	vld.idx.msk [tilespmem:v3+s1+$0x0 ss:$0x1], $0xffff;
	_ =	sdelay $0x4  }
0x137: {  	v5 =	vmul.f32 v5, v1;
	v6 =	vadd.f32 v7, v6;
	_ =	sdelay $0x1  }
0x138: {  	v5 =	vadd.f32 v5, v6;
	_ =	sdelay $0x1  }
0x139: {  	[tilespmem:v2+s1+$0x0 ss:$0x1] =	vst.idx.msk $0xffff, v5  }
0x13a: {  	v5 =	vld.idx.msk [tilespmem:v2+s1+$0x10 ss:$0x1], $0xffff  }
0x13b: {  	v6 =	vld.idx.msk [tilespmem:v3+s1+$0x10 ss:$0x1], $0xffff  }
0x13c: {  	v7 =	vld.idx.msk [tilespmem:v4+s1+$0xFFFFFFE0 ss:$0x1], $0xffff;
	_ =	sdelay $0x4  }
0x13d: {  	v5 =	vadd.f32 v6, v5;
	v6 =	vmul.f32 v7, v1;
	_ =	sdelay $0x1  }
0x13e: {  	v5 =	vadd.f32 v6, v5;
	_ =	sdelay $0x1  }
0x13f: {  	[tilespmem:v2+s1+$0x10 ss:$0x1] =	vst.idx.msk $0xffff, v5  }
0x140: {  	v5 =	vld.idx.msk [tilespmem:v4+s1+$0xFFFFFFF0 ss:$0x1], $0xffff  }
0x141: {  	v6 =	vld.idx.msk [tilespmem:v2+s1+$0x20 ss:$0x1], $0xffff  }
0x142: {  	v7 =	vld.idx.msk [tilespmem:v3+s1+$0x20 ss:$0x1], $0xffff;
	_ =	sdelay $0x4  }
0x143: {  	s10 =	simm.s32 $0x1000;
	v5 =	vmul.f32 v5, v1;
	v6 =	vadd.f32 v7, v6  }
.LBB2_15:
0x144: {  	p1 =	sne.s32 s10, $0x9000;
	s9 =	smov.u32 s10;
	s10 =	sadd.s32 $0x1000, s10  }
0x145: {  	v5 =	vadd.f32 v5, v6;
	_ =	sdelay $0x1  }
0x146: {  	[tilespmem:v2+s1+$0x20 ss:$0x1] =	vst.idx.msk $0xffff, v5  }
0x147: {  	v5 =	vld.idx.msk [tilespmem:v2+s1+$0x30 ss:$0x1], $0xffff  }
0x148: {  	v6 =	vld.idx.msk [tilespmem:v4+s1+$0x0 ss:$0x1], $0xffff  }
0x149: {  	v7 =	vld.idx.msk [tilespmem:v3+s1+$0x30 ss:$0x1], $0xffff;
	_ =	sdelay $0x4  }
0x14a: {  	v6 =	vmul.f32 v6, v1  }
0x14b: {  	v5 =	vadd.f32 v7, v5;
	_ =	sdelay $0x1  }
0x14c: {  	v5 =	vadd.f32 v6, v5  }
0x14d: {  	s9 =	sshra.s32 s9, $0x2  }
0x14e: {  	v6 =	vld.idx.msk [tilespmem:v2+s9+$0xFFFFFFC0 ss:$0x1], $0xffff;
	[tilespmem:v2+s1+$0x30 ss:$0x1] =	vst.idx.msk $0xffff, v5;
	s1 =	smov.u32 s9  }
0x14f: {  	v5 =	vld.idx.msk [tilespmem:v4+s1+$0xFFFFFF90 ss:$0x1], $0xffff  }
0x150: {  	v7 =	vld.idx.msk [tilespmem:v3+s1+$0xFFFFFFC0 ss:$0x1], $0xffff;
	_ =	sdelay $0x5  }
0x151: {  	v5 =	vmul.f32 v5, v1;
	v6 =	vadd.f32 v7, v6;
	_ =	sdelay $0x1  }
0x152: {  	v5 =	vadd.f32 v5, v6;
	_ =	sdelay $0x1  }
0x153: {  	[tilespmem:v2+s1+$0xFFFFFFC0 ss:$0x1] =	vst.idx.msk $0xffff, v5  }
0x154: {  	v5 =	vld.idx.msk [tilespmem:v2+s1+$0xFFFFFFD0 ss:$0x1], $0xffff  }
0x155: {  	v6 =	vld.idx.msk [tilespmem:v3+s1+$0xFFFFFFD0 ss:$0x1], $0xffff  }
0x156: {  	v7 =	vld.idx.msk [tilespmem:v4+s1+$0xFFFFFFA0 ss:$0x1], $0xffff;
	_ =	sdelay $0x4  }
0x157: {  	v5 =	vadd.f32 v6, v5  }
0x158: {  	v6 =	vmul.f32 v7, v1;
	_ =	sdelay $0x1  }
0x159: {  	v5 =	vadd.f32 v6, v5;
	_ =	sdelay $0x1  }
0x15a: {  	[tilespmem:v2+s1+$0xFFFFFFD0 ss:$0x1] =	vst.idx.msk $0xffff, v5  }
0x15b: {  	v5 =	vld.idx.msk [tilespmem:v3+s1+$0xFFFFFFE0 ss:$0x1], $0xffff  }
0x15c: {  	v6 =	vld.idx.msk [tilespmem:v2+s1+$0xFFFFFFE0 ss:$0x1], $0xffff  }
0x15d: {  	v7 =	vld.idx.msk [tilespmem:v4+s1+$0xFFFFFFB0 ss:$0x1], $0xffff;
	_ =	sdelay $0x4  }
0x15e: {  	v5 =	vadd.f32 v5, v6  }
0x15f: {  	v6 =	vmul.f32 v7, v1;
	_ =	sdelay $0x1  }
0x160: {  	v5 =	vadd.f32 v6, v5;
	_ =	sdelay $0x1  }
0x161: {  	[tilespmem:v2+s1+$0xFFFFFFE0 ss:$0x1] =	vst.idx.msk $0xffff, v5  }
0x162: {  	v5 =	vld.idx.msk [tilespmem:v2+s1+$0xFFFFFFF0 ss:$0x1], $0xffff  }
0x163: {  	v6 =	vld.idx.msk [tilespmem:v3+s1+$0xFFFFFFF0 ss:$0x1], $0xffff  }
0x164: {  	v7 =	vld.idx.msk [tilespmem:v4+s1+$0xFFFFFFC0 ss:$0x1], $0xffff;
	_ =	sdelay $0x4  }
0x165: {  	v5 =	vadd.f32 v6, v5  }
0x166: {  	v6 =	vmul.f32 v7, v1;
	_ =	sdelay $0x1  }
0x167: {  	v5 =	vadd.f32 v6, v5;
	_ =	sdelay $0x1  }
0x168: {  	[tilespmem:v2+s1+$0xFFFFFFF0 ss:$0x1] =	vst.idx.msk $0xffff, v5  }
0x169: {  	v5 =	vld.idx.msk [tilespmem:v4+s1+$0xFFFFFFD0 ss:$0x1], $0xffff  }
0x16a: {  	v6 =	vld.idx.msk [tilespmem:v2+s1+$0x0 ss:$0x1], $0xffff  }
0x16b: {  	v7 =	vld.idx.msk [tilespmem:v3+s1+$0x0 ss:$0x1], $0xffff;
	_ =	sdelay $0x3  }
0x16c: {  	v5 =	vmul.f32 v5, v1;
	_ =	sdelay $0x1  }
0x16d: {  	v6 =	vadd.f32 v7, v6;
	_ =	sdelay $0x1  }
0x16e: {  	v5 =	vadd.f32 v5, v6;
	_ =	sdelay $0x1  }
0x16f: {  	[tilespmem:v2+s1+$0x0 ss:$0x1] =	vst.idx.msk $0xffff, v5  }
0x170: {  	v5 =	vld.idx.msk [tilespmem:v2+s1+$0x10 ss:$0x1], $0xffff  }
0x171: {  	v6 =	vld.idx.msk [tilespmem:v3+s1+$0x10 ss:$0x1], $0xffff  }
0x172: {  	v7 =	vld.idx.msk [tilespmem:v4+s1+$0xFFFFFFE0 ss:$0x1], $0xffff;
	_ =	sdelay $0x4  }
0x173: {  	v5 =	vadd.f32 v6, v5  }
0x174: {  	v6 =	vmul.f32 v7, v1;
	_ =	sdelay $0x1  }
0x175: {  	v5 =	vadd.f32 v6, v5;
	_ =	sdelay $0x1  }
0x176: {  	[tilespmem:v2+s1+$0x10 ss:$0x1] =	vst.idx.msk $0xffff, v5  }
0x177: {  	v5 =	vld.idx.msk [tilespmem:v4+s1+$0xFFFFFFF0 ss:$0x1], $0xffff  }
0x178: {  	v6 =	vld.idx.msk [tilespmem:v2+s1+$0x20 ss:$0x1], $0xffff  }
0x179: {  	v7 =	vld.idx.msk [tilespmem:v3+s1+$0x20 ss:$0x1], $0xffff;
	_ =	sdelay $0x1  }
.Ltmp8:
0x17a: {  	(pc) =	sbr.rel @p1 .LBB2_15-.Ltmp8, $3  }
0x17b: {  	_ = 	snop  }
0x17c: {  	v5 =	vmul.f32 v5, v1;
	_ =	sdelay $0x1  }
0x17d: {  	v6 =	vadd.f32 v7, v6  }
0x17e: {  	_ =	sdelay $0x1  }
0x17f: {  	v5 =	vadd.f32 v5, v6;
	_ =	sdelay $0x1  }
0x180: {  	[tilespmem:v2+s1+$0x20 ss:$0x1] =	vst.idx.msk $0xffff, v5  }
0x181: {  	v5 =	vld.idx.msk [tilespmem:v2+s1+$0x30 ss:$0x1], $0xffff  }
0x182: {  	v4 =	vld.idx.msk [tilespmem:v4+s1+$0x0 ss:$0x1], $0xffff  }
0x183: {  	v3 =	vld.idx.msk [tilespmem:v3+s1+$0x30 ss:$0x1], $0xffff;
	_ =	sdelay $0x2  }
0x184: {  	s8 =	sadd.s32 $0x1, s8  }
0x185: {  	p1 =	sne.s32 s8, $0x10  }
.Ltmp9:
0x186: {  	v4 =	vmul.f32 v4, v1;
	v3 =	vadd.f32 v3, v5;
	(pc) =	sbr.rel @p1 .LBB2_14-.Ltmp9, $3  }
0x187: {  	_ = 	snop  }
0x188: {  	v3 =	vadd.f32 v4, v3;
	_ =	sdelay $0x1  }
0x189: {  	s7 =	sadd.s32 $0x1, s7;
	[tilespmem:v2+s1+$0x30 ss:$0x1] =	vst.idx.msk $0xffff, v3  }
0x18a: {  	s1 =	smul.u32 $0x7A800, s17;
	s0 =	sadd.s32 $0x1, s0  }
0x18b: {  	s7 =	smul.u32 $0x2800, s15;
	p1 =	sne.s32 s0, $0xC  }
.Ltmp10:
0x18c: {  	_ = 	snop;
	(pc) =	sbr.rel @p1 .LBB2_2-.Ltmp10, $4  }
0x18d: {  	s1 =	sadd.s32 s1, s7  }
0x18e: {  	s1 =	sshrl.u32 s1, $0x3  }
0x18f: {  	s1 =	sadd.s32 s11, s1  }
0x190: {  	[hbm4b:s1+s4] =	stream.linear.scatter [tilespmem:s23], [sflag:$0x6], $0x5000, $0x38;
	[tilespmem:$0x1B080] =	vst v63  }
0x191: {  	s0 =	simm.s32 $0x5  }
0x192: {  	_ =	swait.ge [sflag:s0], $0x5000  }
.Ltmp11:
0x193: {  	[sflag:s0] =	ssyncset.done $0x0;
	(pc) =	sbr.rel @p0 .LBB2_23-.Ltmp11, $4  }
0x194: {  	[sflag:s0] =	ssyncadd.s32 $0xFFFFB000  }
0x195: {  	_ =	swait.ge [sflag:s30], $0x5000  }
0x196: {  	s14 =	simm.s32 $0xA000;
	[sflag:s30] =	ssyncset.done $0x0  }
0x197: {  	s15 =	simm.s32 $0xA400;
	s17 =	simm.s32 $0xA800;
	[sflag:s30] =	ssyncadd.s32 $0xFFFFB000  }
0x198: {  	s0 =	simm.s32 $0x0;
	s7 =	rddreg [dreg:$0x8];
	s1 =	simm.s32 $0x14000  }
0x199: {  	[tilespmem:s1], [sflag:$0x7] =	stream.linear.gather [hbm4b:s7+s0], $0x80, $0x38;
	[tilespmem:$0x1B080] =	vst v63  }
0x19a: {  	s8 =	simm.s32 $0x14400;
	s10 =	sadd.s32 $0x80, s7  }
0x19b: {  	[tilespmem:s8], [sflag:$0x7] =	stream.linear.gather [hbm4b:s10+s0], $0x80, $0x38;
	[tilespmem:$0x1B080] =	vst v63  }
0x19c: {  	s9 =	sadd.s32 $0x100, s7;
	s10 =	simm.s32 $0x14800  }
0x19d: {  	[tilespmem:s10], [sflag:$0x7] =	stream.linear.gather [hbm4b:s9+s0], $0x80, $0x38;
	[tilespmem:$0x1B080] =	vst v63  }
0x19e: {  	s9 =	sadd.s32 $0x180, s7;
	s10 =	simm.s32 $0x14C00  }
0x19f: {  	[tilespmem:s10], [sflag:$0x7] =	stream.linear.gather [hbm4b:s9+s0], $0x80, $0x38;
	[tilespmem:$0x1B080] =	vst v63  }
0x1a0: {  	s9 =	sadd.s32 $0x200, s7;
	s10 =	simm.s32 $0x15000  }
0x1a1: {  	[tilespmem:s10], [sflag:$0x7] =	stream.linear.gather [hbm4b:s9+s0], $0x80, $0x38;
	[tilespmem:$0x1B080] =	vst v63  }
0x1a2: {  	s9 =	sadd.s32 $0x280, s7;
	s10 =	simm.s32 $0x15400  }
0x1a3: {  	[tilespmem:s10], [sflag:$0x7] =	stream.linear.gather [hbm4b:s9+s0], $0x80, $0x38;
	[tilespmem:$0x1B080] =	vst v63  }
0x1a4: {  	s9 =	sadd.s32 $0x300, s7;
	s10 =	simm.s32 $0x15800  }
0x1a5: {  	[tilespmem:s10], [sflag:$0x7] =	stream.linear.gather [hbm4b:s9+s0], $0x80, $0x38;
	[tilespmem:$0x1B080] =	vst v63  }
0x1a6: {  	s9 =	sadd.s32 $0x380, s7;
	s10 =	simm.s32 $0x15C00  }
0x1a7: {  	[tilespmem:s10], [sflag:$0x7] =	stream.linear.gather [hbm4b:s9+s0], $0x80, $0x38;
	[tilespmem:$0x1B080] =	vst v63  }
0x1a8: {  	s9 =	sadd.s32 $0x400, s7;
	s10 =	simm.s32 $0x16000  }
0x1a9: {  	[tilespmem:s10], [sflag:$0x7] =	stream.linear.gather [hbm4b:s9+s0], $0x80, $0x38;
	[tilespmem:$0x1B080] =	vst v63  }
0x1aa: {  	s9 =	sadd.s32 $0x480, s7;
	s10 =	simm.s32 $0x16400  }
0x1ab: {  	[tilespmem:s10], [sflag:$0x7] =	stream.linear.gather [hbm4b:s9+s0], $0x80, $0x38;
	[tilespmem:$0x1B080] =	vst v63  }
0x1ac: {  	_ =	swait.ge [sflag:s16], $0x500  }
0x1ad: {  	[sflag:s16] =	ssyncset.done $0x0  }
0x1ae: {  	s1 =	simm.s32 $0x0;
	[sflag:s16] =	ssyncadd.s32 $0xFFFFFB00  }
.LBB2_20:
0x1af: {  	s7 =	sshll.u32 s1, $0x7  }
0x1b0: {  	v1 =	vld [tilespmem:s7+$0x19000];
	_ =	sdelay $0x4  }
0x1b1: {  	(v2sf) =	vpush v1, $0x0;
	_ =	sdelay $0xe  }
0x1b2: {  	s8 =	spop (v2sf)  }
0x1b3: {  	s8 =	smul.u32 $0x1F6800, s8;
	_ =	sdelay $0x1  }
0x1b4: {  	s8 =	sadd.s32 $0x1F4000, s8  }
0x1b5: {  	s8 =	sshrl.u32 s8, $0x3  }
0x1b6: {  	s8 =	sadd.s32 s6, s8  }
0x1b7: {  	[tilespmem:s14], [sflag:$0x3] =	stream.linear.gather [hbm4b:s8+s0], $0x80, $0x38;
	[tilespmem:$0x1B080] =	vst v63  }
0x1b8: {  	s9 =	sadd.s32 $0x80, s8  }
0x1b9: {  	[tilespmem:s15], [sflag:$0x3] =	stream.linear.gather [hbm4b:s9+s0], $0x80, $0x38;
	[tilespmem:$0x1B080] =	vst v63  }
0x1ba: {  	s10 =	sadd.s32 $0x100, s8  }
0x1bb: {  	[tilespmem:s17], [sflag:$0x3] =	stream.linear.gather [hbm4b:s10+s0], $0x80, $0x38;
	[tilespmem:$0x1B080] =	vst v63  }
0x1bc: {  	s9 =	sadd.s32 $0x180, s8;
	s10 =	simm.s32 $0xAC00  }
0x1bd: {  	[tilespmem:s10], [sflag:$0x3] =	stream.linear.gather [hbm4b:s9+s0], $0x80, $0x38;
	[tilespmem:$0x1B080] =	vst v63  }
0x1be: {  	s9 =	sadd.s32 $0x200, s8;
	s10 =	simm.s32 $0xB000  }
0x1bf: {  	[tilespmem:s10], [sflag:$0x3] =	stream.linear.gather [hbm4b:s9+s0], $0x80, $0x38;
	[tilespmem:$0x1B080] =	vst v63  }
0x1c0: {  	s9 =	sadd.s32 $0x280, s8;
	s10 =	simm.s32 $0xB400  }
0x1c1: {  	[tilespmem:s10], [sflag:$0x3] =	stream.linear.gather [hbm4b:s9+s0], $0x80, $0x38;
	[tilespmem:$0x1B080] =	vst v63  }
0x1c2: {  	s9 =	sadd.s32 $0x300, s8;
	s10 =	simm.s32 $0xB800  }
0x1c3: {  	[tilespmem:s10], [sflag:$0x3] =	stream.linear.gather [hbm4b:s9+s0], $0x80, $0x38;
	[tilespmem:$0x1B080] =	vst v63  }
0x1c4: {  	s9 =	sadd.s32 $0x380, s8;
	s10 =	simm.s32 $0xBC00  }
0x1c5: {  	[tilespmem:s10], [sflag:$0x3] =	stream.linear.gather [hbm4b:s9+s0], $0x80, $0x38;
	[tilespmem:$0x1B080] =	vst v63  }
0x1c6: {  	s9 =	sadd.s32 $0x400, s8;
	s10 =	simm.s32 $0xC000  }
0x1c7: {  	[tilespmem:s10], [sflag:$0x3] =	stream.linear.gather [hbm4b:s9+s0], $0x80, $0x38;
	[tilespmem:$0x1B080] =	vst v63  }
0x1c8: {  	s8 =	sadd.s32 $0x480, s8;
	s9 =	smul.u32 $0x1F6800, s1;
	s10 =	simm.s32 $0xC400  }
0x1c9: {  	[tilespmem:s10], [sflag:$0x3] =	stream.linear.gather [hbm4b:s8+s0], $0x80, $0x38;
	[tilespmem:$0x1B080] =	vst v63  }
0x1ca: {  	s9 =	sshrl.u32 s9, $0x3  }
0x1cb: {  	s8 =	sadd.s32 s5, s9  }
0x1cc: {  	s8 =	sadd.s32 $0x3E800, s8  }
0x1cd: {  	[tilespmem:s0], [sflag:$0x7] =	stream.linear.gather [hbm4b:s8+s0], $0x80, $0x38;
	[tilespmem:$0x1B080] =	vst v63  }
0x1ce: {  	s10 =	sadd.s32 $0x80, s8  }
0x1cf: {  	[tilespmem:s19], [sflag:$0x7] =	stream.linear.gather [hbm4b:s10+s0], $0x80, $0x38;
	[tilespmem:$0x1B080] =	vst v63  }
0x1d0: {  	s10 =	sadd.s32 $0x100, s8  }
0x1d1: {  	[tilespmem:s18], [sflag:$0x7] =	stream.linear.gather [hbm4b:s10+s0], $0x80, $0x38;
	[tilespmem:$0x1B080] =	vst v63  }
0x1d2: {  	s10 =	sadd.s32 $0x180, s8  }
0x1d3: {  	[tilespmem:s20], [sflag:$0x7] =	stream.linear.gather [hbm4b:s10+s0], $0x80, $0x38;
	[tilespmem:$0x1B080] =	vst v63  }
0x1d4: {  	s10 =	sadd.s32 $0x200, s8  }
0x1d5: {  	[tilespmem:s12], [sflag:$0x7] =	stream.linear.gather [hbm4b:s10+s0], $0x80, $0x38;
	[tilespmem:$0x1B080] =	vst v63  }
0x1d6: {  	s10 =	sadd.s32 $0x280, s8  }
0x1d7: {  	[tilespmem:s29], [sflag:$0x7] =	stream.linear.gather [hbm4b:s10+s0], $0x80, $0x38;
	[tilespmem:$0x1B080] =	vst v63  }
0x1d8: {  	s12 =	sadd.s32 $0x300, s8  }
0x1d9: {  	[tilespmem:s13], [sflag:$0x7] =	stream.linear.gather [hbm4b:s12+s0], $0x80, $0x38;
	[tilespmem:$0x1B080] =	vst v63  }
0x1da: {  	s10 =	sadd.s32 $0x380, s8  }
0x1db: {  	[tilespmem:s2], [sflag:$0x7] =	stream.linear.gather [hbm4b:s10+s0], $0x80, $0x38;
	[tilespmem:$0x1B080] =	vst v63  }
0x1dc: {  	s12 =	sadd.s32 $0x400, s8  }
0x1dd: {  	[tilespmem:s21], [sflag:$0x7] =	stream.linear.gather [hbm4b:s12+s0], $0x80, $0x38;
	[tilespmem:$0x1B080] =	vst v63  }
0x1de: {  	s8 =	sadd.s32 $0x480, s8  }
0x1df: {  	[tilespmem:s31], [sflag:$0x7] =	stream.linear.gather [hbm4b:s8+s0], $0x80, $0x38;
	[tilespmem:$0x1B080] =	vst v63  }
0x1e0: {  	_ =	swait.ge [sflag:s16], $0x500  }
0x1e1: {  	[sflag:s16] =	ssyncset.done $0x0  }
0x1e2: {  	[sflag:s16] =	ssyncadd.s32 $0xFFFFFB00  }
0x1e3: {  	_ =	swait.ge [sflag:s25], $0x500  }
0x1e4: {  	[sflag:s25] =	ssyncset.done $0x0  }
0x1e5: {  	s9 =	sand.u32 $0x70, s0;
	s10 =	sand.u32 $0x3C00, s0;
	[sflag:s25] =	ssyncadd.s32 $0xFFFFFB00  }
0x1e6: {  	v1 =	vld [tilespmem:s7+$0x1A000];
	s7 =	sor.u32 s9, s10  }
0x1e7: {  	v2 =	vld [tilespmem:s7+$0x14000]  }
0x1e8: {  	v3 =	vld [tilespmem:s7+$0xA000]  }
0x1e9: {  	v4 =	vld [tilespmem:s7+$0x0];
	_ =	sdelay $0x2  }
0x1ea: {  	v2 =	vmul.f32 v2, v0;
	_ =	sdelay $0x1  }
0x1eb: {  	s12 =	simm.s32 $0x10;
	s8 =	simm.s32 $0x80;
	v3 =	vmul.f32 v3, v1;
	v2 =	vadd.f32 v2, v4  }
0x1ec: {  	s9 =	sand.u32 $0x70, s12;
	s12 =	sand.u32 $0x3C00, s8;
	s10 =	simm.s32 $0x20  }
.LBB2_21:
0x1ed: {  	p1 =	sne.s32 s10, $0x4F0;
	s9 =	sor.u32 s9, s12;
	v2 =	vadd.f32 v3, v2  }
0x1ee: {  	v3 =	vld [tilespmem:s9+$0x14000]  }
0x1ef: {  	v4 =	vld [tilespmem:s9+$0xA000];
	[tilespmem:s7+$0x0] =	vst v2;
	s7 =	smov.u32 s9  }
0x1f0: {  	v2 =	vld [tilespmem:s7+$0x0];
	_ =	sdelay $0x1  }
.Ltmp12:
0x1f1: {  	(pc) =	sbr.rel @p1 .LBB2_21-.Ltmp12, $3  }
0x1f2: {  	v3 =	vmul.f32 v3, v0;
	_ =	sdelay $0x1  }
0x1f3: {  	s8 =	sadd.s32 $0x80, s8;
	v2 =	vadd.f32 v3, v2;
	v3 =	vmul.f32 v4, v1  }
0x1f4: {  	s12 =	sand.u32 $0x3C00, s8;
	s9 =	sand.u32 $0x70, s10;
	s10 =	sadd.s32 $0x10, s10  }
0x1f5: {  	s8 =	sor.u32 s9, s12;
	v2 =	vadd.f32 v3, v2  }
0x1f6: {  	v3 =	vld [tilespmem:s8+$0x14000]  }
0x1f7: {  	v4 =	vld [tilespmem:s8+$0xA000];
	[tilespmem:s7+$0x0] =	vst v2  }
0x1f8: {  	v2 =	vld [tilespmem:s8+$0x0];
	_ =	sdelay $0x2  }
0x1f9: {  	v3 =	vmul.f32 v3, v0;
	_ =	sdelay $0x1  }
0x1fa: {  	s12 =	smul.u32 $0x7A800, s1;
	v1 =	vmul.f32 v4, v1;
	v2 =	vadd.f32 v3, v2;
	_ =	sdelay $0x1  }
0x1fb: {  	s7 =	sshrl.u32 s12, $0x3;
	v1 =	vadd.f32 v1, v2  }
0x1fc: {  	s7 =	sadd.s32 s11, s7  }
0x1fd: {  	s9 =	sadd.s32 $0xF000, s7;
	[tilespmem:s8+$0x0] =	vst v1  }
0x1fe: {  	[hbm4b:s9+s4] =	stream.linear.scatter [tilespmem:s4], [sflag:$0x7], $0x80, $0x38;
	[tilespmem:$0x1B080] =	vst v63  }
0x1ff: {  	s10 =	sadd.s32 $0xF080, s7  }
0x200: {  	[hbm4b:s10+s4] =	stream.linear.scatter [tilespmem:s19], [sflag:$0x7], $0x80, $0x38;
	[tilespmem:$0x1B080] =	vst v63  }
0x201: {  	s12 =	sadd.s32 $0xF100, s7  }
0x202: {  	[hbm4b:s12+s4] =	stream.linear.scatter [tilespmem:s18], [sflag:$0x7], $0x80, $0x38;
	[tilespmem:$0x1B080] =	vst v63  }
0x203: {  	s9 =	sadd.s32 $0xF180, s7  }
0x204: {  	[hbm4b:s9+s4] =	stream.linear.scatter [tilespmem:s20], [sflag:$0x7], $0x80, $0x38;
	[tilespmem:$0x1B080] =	vst v63  }
0x205: {  	s10 =	sadd.s32 $0xF200, s7;
	s12 =	simm.s32 $0x1000  }
0x206: {  	[hbm4b:s10+s4] =	stream.linear.scatter [tilespmem:s12], [sflag:$0x7], $0x80, $0x38;
	[tilespmem:$0x1B080] =	vst v63  }
0x207: {  	s9 =	sadd.s32 $0xF280, s7  }
0x208: {  	[hbm4b:s9+s4] =	stream.linear.scatter [tilespmem:s29], [sflag:$0x7], $0x80, $0x38;
	[tilespmem:$0x1B080] =	vst v63  }
0x209: {  	s10 =	sadd.s32 $0xF300, s7  }
0x20a: {  	[hbm4b:s10+s4] =	stream.linear.scatter [tilespmem:s13], [sflag:$0x7], $0x80, $0x38;
	[tilespmem:$0x1B080] =	vst v63  }
0x20b: {  	s9 =	sadd.s32 $0xF380, s7  }
0x20c: {  	[hbm4b:s9+s4] =	stream.linear.scatter [tilespmem:s2], [sflag:$0x7], $0x80, $0x38;
	[tilespmem:$0x1B080] =	vst v63  }
0x20d: {  	s1 =	sadd.s32 $0x1, s1;
	s10 =	sadd.s32 $0xF400, s7  }
0x20e: {  	[hbm4b:s10+s4] =	stream.linear.scatter [tilespmem:s21], [sflag:$0x7], $0x80, $0x38;
	[tilespmem:$0x1B080] =	vst v63  }
0x20f: {  	p1 =	sne.s32 s1, $0x20;
	s7 =	sadd.s32 $0xF480, s7  }
0x210: {  	[hbm4b:s7+s4] =	stream.linear.scatter [tilespmem:s31], [sflag:$0x7], $0x80, $0x38;
	[tilespmem:$0x1B080] =	vst v63  }
.Ltmp13:
0x211: {  	_ = 	snop;
	(pc) =	sbr.rel @p1 .LBB2_20-.Ltmp13, $4  }
.Ltmp14:
0x212: {  	_ = 	snop;
	(pc) =	sbr.rel @!p1 .LBB2_23-.Ltmp14, $4  }
0x213: {  	_ =	swait.ge [sflag:s16], $0x500  }
0x214: {  	[sflag:s16] =	ssyncset.done $0x0  }
0x215: {  	[sflag:s16] =	ssyncadd.s32 $0xFFFFFB00  }
0x216: {  	_ = 	snop  }
.LBB2_24:
0x217: {  	_ =	sfence.sel $0x180000  }
0x218: {  	[bflag:$0x0] =	sbarrier.arrive $0xFFFF  }
0x219: {  	_ =	strace $0x90000047  }
0x21a: {  	s0 =	stileid.u32;
	[bflag:$0x2] =	sbarrier.arrive $0xFFFF  }
0x21b: {  	p0 =	sne.s32 s0, $0x0;
	s0 =	rddreg [dreg:$0x2]  }
0x21c: {  	s0 =	sadd.s32 @!p0 $0x100000, s0  }
0x21d: {  	[sflag:s0] =	ssyncadd.tile.s32 @!p0 $0x1;
	_ =	shalt  }
.Lfunc_end2:
_tile_overlayer_lowered:
.L_overlay_start_2:
0x21e: {  	(tag) =	ssettag $0x2  }
0x21f: {  	s0 =	rddreg [dreg:$0x0];
	s2 =	stileid.u32  }
0x220: {  	s1 =	rddreg [dreg:$0x1];
	p0 =	sne.s32 s2, $0x0  }
0x221: {  	s3 =	rddreg [dreg:$0x2];
	[bflag:$0x3] =	sbarrier.arrive $0xFFFF;
	s2 =	simm.s32 @!p0 $0x1C07  }
0x222: {  	[timem:s3], [sflag:s2] =	dma.local @!p0 [hbm:s0], s1  }
0x223: {  	s0 =	simm.s32 @!p0 $0x7  }
0x224: {  	_ =	swait.ge @!p0 [sflag:s0], s1  }
0x225: {  	s1 =	ssub.s32 @!p0 $0x0, s1;
	[sflag:s0] =	ssyncset.done @!p0 $0x0  }
0x226: {  	[sflag:s0] =	ssyncadd.s32 @!p0 s1  }
0x227: {  	[bflag:$0x3] =	sbarrier.arrive $0xFFFF  }
0x228: {  	_ =	shalt  }

</sc_bundles>
